<compile_context>
chip_gen: v7x
topology: tpu7x:2x2x1
jax: 0.10.2.dev20260603
libtpu: 0.0.44.dev20260713+nightly
codegen_flags: <defaults>
</compile_context>

<pallas_src>
import functools

import jax
import jax.numpy as jnp
from jax import lax
from jax.experimental import pallas as pl
from jax.experimental.pallas import tpu as pltpu
from jax.experimental.pallas import tpu_sc as plsc

B, N, C = 4, 8192, 768
H = 12
HD = C // H
HIDDEN = 4 * C
K = max(1, min(N, int(0.1 * N)))
KP = 832
EPS = 1e-6
NB = 512
NBJ = N // NB
NW = 32
GROW = (B * KP) // NW
SC_PER_B = NW // B
SCF = 104
SCL = K - (SC_PER_B - 1) * SCF
CBUF = 896
TRASH = 880


def _f2m(i):
    return jnp.where(i >= 0, i, i ^ jnp.int32(0x7FFFFFFF))


def _dotbf(a, b, dims):
    return lax.dot_general(a.astype(jnp.bfloat16), b.astype(jnp.bfloat16),
                           dims, preferred_element_type=jnp.float32)


def _router_body(x_ref, w_ref, copy_ref, s_ref, thr_ref, rk_ref, um_ref, ssc_ref):
    b = pl.program_id(0)
    j = pl.program_id(1)
    xb = x_ref[0]
    copy_ref[...] = x_ref[...]
    s = lax.dot_general(xb, w_ref[...], (((1,), (1,)), ((), ())),
                        preferred_element_type=jnp.float32)
    s_ref[...] = s.reshape(1, 1, NB)
    ssc_ref[pl.ds(b, 1), pl.ds(j * NB, NB)] = s.reshape(1, NB)

    @pl.when((b == B - 1) & (j == NBJ - 1))
    def _():
        m = _f2m(ssc_ref[...].view(jnp.int32))

        def body(_, lohi):
            lo, hi = lohi
            mid = (lo & hi) + ((lo ^ hi) >> 1)
            cnt = jnp.sum((m > mid).astype(jnp.int32), axis=1, keepdims=True)
            p = cnt < K
            return (jnp.where(p, lo, mid + 1), jnp.where(p, mid, hi))

        lo0 = jnp.full((B, 1), jnp.iinfo(jnp.int32).min, jnp.int32)
        hi0 = jnp.full((B, 1), jnp.iinfo(jnp.int32).max, jnp.int32)
        t, _hi = lax.fori_loop(0, 32, body, (lo0, hi0))
        cnt_gt = jnp.sum((m > t).astype(jnp.int32), axis=1, keepdims=True)
        r = K - cnt_gt
        thr_f = jnp.where(t >= 0, t, t ^ jnp.int32(0x7FFFFFFF)).view(jnp.float32)
        thr_ref[...] = jnp.broadcast_to(
            jnp.concatenate([thr_f, thr_f], axis=0), (2 * B, 128))
        rk_ref[...] = jnp.broadcast_to(
            jnp.concatenate([r, r], axis=0), (2 * B, 128))
        minv = jnp.min(m, axis=1, keepdims=True)
        iota2 = lax.broadcasted_iota(jnp.int32, (B, N), 1)
        umin = jnp.min(jnp.where(m == minv, iota2, jnp.int32(N)), axis=1,
                       keepdims=True)
        um_ref[...] = jnp.broadcast_to(
            jnp.concatenate([umin, umin], axis=0), (2 * B, 128))


def _router(x, w_router):
    return pl.pallas_call(
        _router_body,
        grid=(B, NBJ),
        in_specs=[
            pl.BlockSpec((1, NB, C), lambda b, j: (b, j, 0)),
            pl.BlockSpec((1, C), lambda b, j: (0, 0)),
        ],
        out_specs=[
            pl.BlockSpec((1, NB, C), lambda b, j: (b, j, 0)),
            pl.BlockSpec((1, 1, NB), lambda b, j: (b, 0, j)),
            pl.BlockSpec((2 * B, 128), lambda b, j: (0, 0)),
            pl.BlockSpec((2 * B, 128), lambda b, j: (0, 0)),
            pl.BlockSpec((2 * B, 128), lambda b, j: (0, 0)),
        ],
        out_shape=[
            jax.ShapeDtypeStruct((B, N, C), jnp.float32),
            jax.ShapeDtypeStruct((B, 1, N), jnp.float32),
            jax.ShapeDtypeStruct((2 * B, 128), jnp.float32),
            jax.ShapeDtypeStruct((2 * B, 128), jnp.int32),
            jax.ShapeDtypeStruct((2 * B, 128), jnp.int32),
        ],
        scratch_shapes=[pltpu.VMEM((B, N), jnp.float32)],
    )(x, w_router)


def _compact_body(s_hbm, thr_hbm, rk_hbm, um_hbm, gidx_hbm, tw_hbm,
                  s_v, idx_v, w_v, thr_v, rk_v, um_v):
    wid = lax.axis_index("s") * 2 + lax.axis_index("c")

    @pl.when(wid < B)
    def _():
        b = wid
        pltpu.sync_copy(s_hbm.at[pl.ds(b * N, N)], s_v)
        pltpu.sync_copy(thr_hbm.at[pl.ds(b * 128, 16)], thr_v)
        pltpu.sync_copy(rk_hbm.at[pl.ds(b * 128, 16)], rk_v)
        pltpu.sync_copy(um_hbm.at[pl.ds(b * 128, 16)], um_v)
        tv = thr_v[...]
        rv = rk_v[...]
        b_n = b * N
        fill_i = um_v[...] + b_n
        fill_w = jnp.zeros((16,), jnp.float32)

        def prefill(i, _):
            idx_v[pl.ds(i * 16, 16)] = fill_i
            w_v[pl.ds(i * 16, 16)] = fill_w
            return 0

        lax.fori_loop(0, CBUF // 16, prefill, 0)
        lane = lax.iota(jnp.int32, 16)
        one = jnp.ones((16,), jnp.int32)
        zero = jnp.zeros((16,), jnp.int32)

        def scan(cu, carry):
            nsel, neq = carry
            sv = s_v[pl.ds(cu * 16, 16)]
            gt = sv > tv
            eq = sv == tv
            eqi = jnp.where(eq, one, zero)
            eqc = plsc.cumsum(eqi)
            take = gt | (eq & ((neq + eqc - 1) < rv))
            ti = jnp.where(take, one, zero)
            tc = plsc.cumsum(ti)
            pos = jnp.where(take, nsel + tc - 1, TRASH + lane)
            gv = lane + (b_n + cu * 16)
            wv = 1.0 / (1.0 + jnp.exp(-sv))
            plsc.store_scatter(idx_v, [pos], gv)
            plsc.store_scatter(w_v, [pos], wv)
            return (nsel + jnp.sum(ti), neq + jnp.sum(eqi))

        lax.fori_loop(0, N // 16, scan, (jnp.int32(0), jnp.int32(0)))
        pltpu.sync_copy(idx_v.at[pl.ds(0, KP)], gidx_hbm.at[pl.ds(b * KP, KP)])
        pltpu.sync_copy(w_v.at[pl.ds(0, KP)], tw_hbm.at[pl.ds(b * KP, KP)])


def _compact(scores, thr_bc, rk_bc, um_bc):
    mesh = plsc.VectorSubcoreMesh(core_axis_name="c", subcore_axis_name="s", num_cores=2, num_subcores=16)
    f = pl.kernel(
        _compact_body,
        out_type=[
            jax.ShapeDtypeStruct((B * KP,), jnp.int32),
            jax.ShapeDtypeStruct((B * KP,), jnp.float32),
        ],
        mesh=mesh,
        compiler_params=pltpu.CompilerParams(needs_layout_passes=False),
        scratch_types=[
            pltpu.VMEM((N,), jnp.float32),
            pltpu.VMEM((CBUF,), jnp.int32),
            pltpu.VMEM((CBUF,), jnp.float32),
            pltpu.VMEM((16,), jnp.float32),
            pltpu.VMEM((16,), jnp.int32),
            pltpu.VMEM((16,), jnp.int32),
        ],
    )
    return f(scores.reshape(B * N), thr_bc.reshape(2 * B * 128),
             rk_bc.reshape(2 * B * 128), um_bc.reshape(2 * B * 128))


def _gather_body(x_hbm, gidx_hbm, out_hbm, idx_v, rows_v, sem):
    wid = lax.axis_index("s") * 2 + lax.axis_index("c")
    base = wid * GROW
    pltpu.sync_copy(gidx_hbm.at[pl.ds(base, GROW)], idx_v)
    pltpu.async_copy(x_hbm.at[idx_v], rows_v, sem).wait()
    pltpu.sync_copy(rows_v, out_hbm.at[pl.ds(base, GROW)])


def _gather(x_flat, gidx_flat):
    mesh = plsc.VectorSubcoreMesh(core_axis_name="c", subcore_axis_name="s", num_cores=2, num_subcores=16)
    f = pl.kernel(
        _gather_body,
        out_type=jax.ShapeDtypeStruct((B * KP, C), jnp.float32),
        mesh=mesh,
        compiler_params=pltpu.CompilerParams(needs_layout_passes=False),
        scratch_types=[
            pltpu.VMEM((GROW,), jnp.int32),
            pltpu.VMEM((GROW, C), jnp.float32),
            pltpu.SemaphoreType.DMA,
        ],
    )
    return f(x_flat, gidx_flat)


def _scatter_body(out_ref, rows_hbm, gidx_hbm, idx_a, rows_v, sem):
    wid = lax.axis_index("s") * 2 + lax.axis_index("c")
    base = wid * GROW
    pltpu.sync_copy(gidx_hbm.at[pl.ds(base, GROW)], idx_a)
    pltpu.sync_copy(rows_hbm.at[pl.ds(base, GROW)], rows_v)
    pltpu.async_copy(rows_v, out_ref.at[idx_a], sem).wait()


def _scatter(out_ref, rows_flat, gidx_flat):
    mesh = plsc.VectorSubcoreMesh(core_axis_name="c", subcore_axis_name="s", num_cores=2, num_subcores=16)
    f = pl.kernel(
        _scatter_body,
        out_type=[],
        mesh=mesh,
        compiler_params=pltpu.CompilerParams(needs_layout_passes=False),
        scratch_types=[
            pltpu.VMEM((GROW,), jnp.int32),
            pltpu.VMEM((GROW, C), jnp.float32),
            pltpu.SemaphoreType.DMA,
        ],
    )
    f(out_ref, rows_flat, gidx_flat)


def _ada_body(c_ref, w_ref, b_ref, o_ref):
    cs = jax.nn.silu(c_ref[...])
    o_ref[...] = lax.dot_general(cs, w_ref[...], (((1,), (1,)), ((), ())),
                                 preferred_element_type=jnp.float32) + b_ref[...]


def _ada(c, w_ada, b_ada):
    return pl.pallas_call(
        _ada_body,
        out_shape=jax.ShapeDtypeStruct((B, 6 * C), jnp.float32),
    )(c, w_ada, b_ada.reshape(1, 6 * C))


def _ln_mod(xb, ada_ref, b, off):
    mean = jnp.mean(xb, axis=1, keepdims=True)
    xc = xb - mean
    var = jnp.mean(xc * xc, axis=1, keepdims=True)
    xn = xc * lax.rsqrt(var + EPS)
    shift = ada_ref[pl.ds(b, 1), pl.ds(off, C)]
    scale = ada_ref[pl.ds(b, 1), pl.ds(off + C, C)]
    return xn * (1.0 + scale) + shift


def _attnblock_body(x_ref, ada_ref, wq_ref, bq_ref, wp_ref, bp_ref, o_ref,
                    qkv_s):
    b = pl.program_id(0)
    h = _ln_mod(x_ref[0], ada_ref, b, 0)
    qkv_s[...] = _dotbf(h, wq_ref[...], (((1,), (1,)), ((), ()))) + bq_ref[...]
    scale = HD ** -0.5
    col_pad = (lax.broadcasted_iota(jnp.int32, (KP, KP), 1) >= K)
    outs = []
    for hh in range(H):
        q = qkv_s[:, pl.ds(hh * HD, HD)]
        kk = qkv_s[:, pl.ds(C + hh * HD, HD)]
        v = qkv_s[:, pl.ds(2 * C + hh * HD, HD)]
        s = _dotbf(q, kk, (((1,), (1,)), ((), ()))) * scale
        s = jnp.where(col_pad, -1e30, s)
        s = s - jnp.max(s, axis=1, keepdims=True)
        e = jnp.exp(s)
        p = e * (1.0 / jnp.sum(e, axis=1, keepdims=True))
        outs.append(_dotbf(p, v, (((1,), (0,)), ((), ()))))
    o = jnp.concatenate(outs, axis=1)
    pr = _dotbf(o, wp_ref[...], (((1,), (1,)), ((), ()))) + bp_ref[...]
    gate = ada_ref[pl.ds(b, 1), pl.ds(2 * C, C)]
    x0 = x_ref[0]
    pad = lax.broadcasted_iota(jnp.int32, (KP, 1), 0) >= K
    o_ref[...] = jnp.where(pad, x0, x0 + gate * pr).reshape(1, KP, C)


def _attnblock(topk_x, ada, w_qkv, b_qkv, w_proj, b_proj):
    return pl.pallas_call(
        _attnblock_body,
        grid=(B,),
        in_specs=[
            pl.BlockSpec((1, KP, C), lambda b: (b, 0, 0)),
            pl.BlockSpec((B, 6 * C), lambda b: (0, 0)),
            pl.BlockSpec((3 * C, C), lambda b: (0, 0)),
            pl.BlockSpec((1, 3 * C), lambda b: (0, 0)),
            pl.BlockSpec((C, C), lambda b: (0, 0)),
            pl.BlockSpec((1, C), lambda b: (0, 0)),
        ],
        out_specs=pl.BlockSpec((1, KP, C), lambda b: (b, 0, 0)),
        out_shape=jax.ShapeDtypeStruct((B, KP, C), jnp.float32),
        scratch_shapes=[pltpu.VMEM((KP, 3 * C), jnp.float32)],
    )(topk_x, ada, w_qkv, b_qkv.reshape(1, 3 * C), w_proj, b_proj.reshape(1, C))


def _mlp_body(x_ref, ada_ref, w1_ref, b1_ref, w2_ref, tw_ref, o_ref):
    b = pl.program_id(0)
    hb = pl.program_id(1)
    nhb = pl.num_programs(1)
    hblk = HIDDEN // nhb
    x2 = x_ref[0]
    h = _ln_mod(x2, ada_ref, b, 3 * C)
    a = _dotbf(h, w1_ref[...], (((1,), (1,)), ((), ())))
    a = jax.nn.gelu(a + b1_ref[0, pl.ds(hb * hblk, hblk)].reshape(1, hblk),
                    approximate=True)
    y = _dotbf(a, w2_ref[...], (((1,), (1,)), ((), ())))
    gate = ada_ref[pl.ds(b, 1), pl.ds(5 * C, C)]
    tw = tw_ref[pl.ds(b, 1), :].reshape(KP, 1)
    contrib = tw * (gate * y)
    pad = lax.broadcasted_iota(jnp.int32, (KP, 1), 0) >= K

    @pl.when(hb == 0)
    def _():
        o_ref[...] = jnp.where(pad, x2, x2 + contrib).reshape(1, KP, C)

    @pl.when(hb > 0)
    def _():
        prev = o_ref[...].reshape(KP, C)
        o_ref[...] = jnp.where(pad, prev, prev + contrib).reshape(1, KP, C)


def _mlp(topk_x2, ada, w_fc1, b_fc1, w_fc2, tw):
    nhb = 4
    hblk = HIDDEN // nhb
    return pl.pallas_call(
        _mlp_body,
        grid=(B, nhb),
        in_specs=[
            pl.BlockSpec((1, KP, C), lambda b, h: (b, 0, 0)),
            pl.BlockSpec((B, 6 * C), lambda b, h: (0, 0)),
            pl.BlockSpec((hblk, C), lambda b, h: (h, 0)),
            pl.BlockSpec((1, HIDDEN), lambda b, h: (0, 0)),
            pl.BlockSpec((C, hblk), lambda b, h: (0, h)),
            pl.BlockSpec((B, KP), lambda b, h: (0, 0)),
        ],
        out_specs=pl.BlockSpec((1, KP, C), lambda b, h: (b, 0, 0)),
        out_shape=jax.ShapeDtypeStruct((B, KP, C), jnp.float32),
    )(topk_x2, ada, w_fc1, b_fc1.reshape(1, HIDDEN), w_fc2, tw)


def kernel(x, c, w_router, w_ada, b_ada, w_qkv, b_qkv, w_proj, b_proj,
           w_fc1, b_fc1, w_fc2, b_fc2, activate_mod_router):
    out_copy, scores3, thr8, rk8, um8 = _router(x, w_router)
    scores = scores3.reshape(B, N)
    gidx_flat, tw_flat = _compact(scores, thr8, rk8, um8)
    tw = tw_flat.reshape(B, KP)
    x_flat = x.reshape(B * N, C)
    topk_flat = _gather(x_flat, gidx_flat)
    topk_x = topk_flat.reshape(B, KP, C)

    ada = _ada(c, w_ada, b_ada)
    topk_x2 = _attnblock(topk_x, ada, w_qkv, b_qkv, w_proj, b_proj)
    rows = _mlp(topk_x2, ada, w_fc1, b_fc1, w_fc2, tw)

    out_ref = jax.new_ref(out_copy.reshape(B * N, C))
    _scatter(out_ref, rows.reshape(B * KP, C), gidx_flat)
    return out_ref[...].reshape(B, N, C)

# --- scband reference (transcript-rebuilt; emitter-appended) ---
"""Pipeline reference for scband-di-tblock-1924145348875 (READ-ONLY COPY).

The authoritative reference and input builder live on the scoring server;
editing this copy changes nothing except your own understanding.
"""

import jax, jax.numpy as jnp
import numpy as np

B, N, C = 4, 8192, 768
H = 12
MLP_HIDDEN = int(C * 4.0)
MOD_RATIO = 0.1
EPS = 1e-6


def layer_norm(x):
    mean = jnp.mean(x, axis=-1, keepdims=True)
    var = jnp.var(x, axis=-1, keepdims=True)
    return (x - mean) / jnp.sqrt(var + EPS)


def modulate(x, shift, scale):
    return x * (1.0 + scale[:, None, :]) + shift[:, None, :]


def attention(h, w_qkv, b_qkv, w_proj, b_proj):
    b, n, c = h.shape
    hd = c // H
    qkv = jnp.einsum('bnc,oc->bno', h, w_qkv) + b_qkv
    qkv = qkv.reshape(b, n, 3, H, hd).transpose(2, 0, 3, 1, 4)
    q, k, v = qkv[0], qkv[1], qkv[2]
    scale = hd ** -0.5
    att = jnp.einsum('bhqd,bhkd->bhqk', q, k) * scale
    att = jax.nn.softmax(att, axis=-1)
    o = jnp.einsum('bhqk,bhkd->bhqd', att, v)
    o = o.transpose(0, 2, 1, 3).reshape(b, n, c)
    return jnp.einsum('bnc,oc->bno', o, w_proj) + b_proj


def mlp(h, w_fc1, b_fc1, w_fc2, b_fc2):
    h = jnp.einsum('bnc,oc->bno', h, w_fc1) + b_fc1
    h = jax.nn.gelu(h, approximate=True)
    return jnp.einsum('bno,co->bnc', h, w_fc2) + b_fc2


def setup_inputs(seed: int = 0) -> dict:
    key = jax.random.key(seed)
    ks = jax.random.split(key, 16)
    s = 0.02
    inp = {
        'x': jax.random.normal(ks[0], (B, N, C), dtype=jnp.float32),
        'c': jax.random.normal(ks[1], (B, C), dtype=jnp.float32),
        'w_router': jax.random.normal(ks[2], (1, C), dtype=jnp.float32) * s,
        'w_ada': jax.random.normal(ks[3], (6 * C, C), dtype=jnp.float32) * s,
        'b_ada': jnp.zeros((6 * C,), dtype=jnp.float32),
        'w_qkv': jax.random.normal(ks[4], (3 * C, C), dtype=jnp.float32) * s,
        'b_qkv': jnp.zeros((3 * C,), dtype=jnp.float32),
        'w_proj': jax.random.normal(ks[5], (C, C), dtype=jnp.float32) * s,
        'b_proj': jnp.zeros((C,), dtype=jnp.float32),
        'w_fc1': jax.random.normal(ks[6], (MLP_HIDDEN, C), dtype=jnp.float32) * s,
        'b_fc1': jnp.zeros((MLP_HIDDEN,), dtype=jnp.float32),
        'w_fc2': jax.random.normal(ks[7], (C, MLP_HIDDEN), dtype=jnp.float32) * s,
        'b_fc2': jnp.zeros((C,), dtype=jnp.float32),
        'activate_mod_router': 1,
    }
    return inp


def reference(x, c, w_router, w_ada, b_ada, w_qkv, b_qkv, w_proj, b_proj,
              w_fc1, b_fc1, w_fc2, b_fc2, activate_mod_router=1):
    b, n, ch = x.shape
    # routing branch (routing=True, diffrate=False, activate_mod_router=True)
    token_weights = jnp.einsum('bnc,oc->bno', x, w_router)[..., 0]  # (B, N)
    k = max(1, min(n, int(MOD_RATIO * n)))
    topk_weights, topk_indices = jax.lax.top_k(jax.nn.sigmoid(token_weights), k)
    index = jnp.argsort(topk_indices, axis=1)
    sorted_indices = jnp.take_along_axis(topk_indices, index, axis=1)
    idx3 = jnp.broadcast_to(sorted_indices[:, :, None], (b, k, ch))
    topk_x = jnp.take_along_axis(x, idx3, axis=1)
    bidx = jnp.arange(b)[:, None]
    remaining_x = x.at[bidx, sorted_indices].set(0.0)

    ada = jnp.einsum('bc,oc->bo', jax.nn.silu(c), w_ada) + b_ada
    shift_msa, scale_msa, gate_msa, shift_mlp, scale_mlp, gate_mlp = jnp.split(ada, 6, axis=1)

    h = modulate(layer_norm(topk_x), shift_msa, scale_msa)
    topk_x = topk_x + gate_msa[:, None, :] * attention(h, w_qkv, b_qkv, w_proj, b_proj)
    out = gate_mlp[:, None, :] * mlp(modulate(layer_norm(topk_x), shift_mlp, scale_mlp),
                                     w_fc1, b_fc1, w_fc2, b_fc2)
    out = out * jnp.take_along_axis(topk_weights, index, axis=1)[:, :, None]
    out = out + topk_x
    out = remaining_x.at[bidx, sorted_indices].add(out)
    return out

if __name__ == "__main__":
    import jax
    _d = setup_inputs()
    print(jax.jit(kernel)(*tuple(_d.values())))

</pallas_src>

<mosaic_0001>
#map = affine_map<(d0, d1) -> (0, 0)>
#map1 = affine_map<(d0, d1) -> (0)>
module attributes {stable_mosaic.version = 14 : i64} {
  func.func @_gather_body(%arg0: i32, %arg1: i32, %arg2: memref<32768x768xf32, #tpu.memory_space<hbm>>, %arg3: memref<3328xi32, #tpu.memory_space<hbm>>, %arg4: memref<3328x768xf32, #tpu.memory_space<hbm>>, %arg5: memref<104xi32, #tpu.memory_space<vmem>>, %arg6: memref<104x768xf32, #tpu.memory_space<vmem>>, %arg7: memref<!tpu.dma_semaphore, #tpu.memory_space<semaphore_mem>>) attributes {dimension_semantics = [#tpu.dimension_semantics<core_parallel>, #tpu.dimension_semantics<subcore_parallel>], iteration_bounds = array<i64: 2, 16>, scalar_prefetch = 0 : i64, scratch_operands = 3 : i64, tpu.core_type = #tpu.core_type<sc_vector_subcore>, window_params = [{transform_indices = #map}, {transform_indices = #map1}, {transform_indices = #map}]} {
    %mul3A = arith.constant 2 : i32
    %mul3A_0 = arith.muli %arg1, %mul3A : i32
    %add3A = arith.addi %mul3A_0, %arg0 : i32
    %mul3A_1 = arith.constant 104 : i32
    %mul3A_2 = arith.muli %add3A, %mul3A_1 : i32
    "tpu.region"() ({
      %run_scoped3A = tpu.sem_alloc : memref<!tpu.dma_semaphore, #tpu.memory_space<semaphore_mem>>
      %dma_start3A_7 = tpu.memref_slice %arg3[%mul3A_2] : memref<3328xi32, #tpu.memory_space<hbm>> -> memref<104xi32, #tpu.memory_space<hbm>>
      %dma_start3A_8 = tpu.memref_slice %arg3[%mul3A_2] : memref<3328xi32, #tpu.memory_space<hbm>> -> memref<104xi32, #tpu.memory_space<hbm>>
      tpu.enqueue_dma source(%dma_start3A_8 : memref<104xi32, #tpu.memory_space<hbm>>) target(%arg5 : memref<104xi32, #tpu.memory_space<vmem>>) target_semaphore(%run_scoped3A : memref<!tpu.dma_semaphore, #tpu.memory_space<semaphore_mem>>)
      %dma_wait3A_9 = tpu.memref_slice %arg3[%mul3A_2] : memref<3328xi32, #tpu.memory_space<hbm>> -> memref<104xi32, #tpu.memory_space<hbm>>
      %dma_wait3A_10 = tpu.memref_slice %arg3[%mul3A_2] : memref<3328xi32, #tpu.memory_space<hbm>> -> memref<104xi32, #tpu.memory_space<hbm>>
      tpu.wait_dma2 semaphore(%run_scoped3A : memref<!tpu.dma_semaphore, #tpu.memory_space<semaphore_mem>>) src(%dma_wait3A_10 : memref<104xi32, #tpu.memory_space<hbm>>) dst(%arg5 : memref<104xi32, #tpu.memory_space<vmem>>)
      tpu.yield
    }) : () -> ()
    %dma_start3A = arith.constant 0 : i32
    %dma_start3A_3 = arith.constant 0 : i32
    %dma_start3A_4 = tpu.memref_slice %arg2[%dma_start3A, %dma_start3A_3] : memref<32768x768xf32, #tpu.memory_space<hbm>> -> memref<32768x768xf32, #tpu.memory_space<hbm>>
    tpu.enqueue_indirect_dma source(%dma_start3A_4 : memref<32768x768xf32, #tpu.memory_space<hbm>>) target(%arg6 : memref<104x768xf32, #tpu.memory_space<vmem>>) offsets(%arg5 : memref<104xi32, #tpu.memory_space<vmem>>) semaphore(%arg7 : memref<!tpu.dma_semaphore, #tpu.memory_space<semaphore_mem>>)
    %dma_wait3A = arith.constant 0 : i32
    %dma_wait3A_5 = arith.constant 0 : i32
    %dma_wait3A_6 = tpu.memref_slice %arg2[%dma_wait3A, %dma_wait3A_5] : memref<32768x768xf32, #tpu.memory_space<hbm>> -> memref<32768x768xf32, #tpu.memory_space<hbm>>
    tpu.wait_indirect_dma semaphore(%arg7 : memref<!tpu.dma_semaphore, #tpu.memory_space<semaphore_mem>>) src(%dma_wait3A_6 : memref<32768x768xf32, #tpu.memory_space<hbm>>) dst(%arg6 : memref<104x768xf32, #tpu.memory_space<vmem>>)
    "tpu.region"() ({
      %run_scoped3A = tpu.sem_alloc : memref<!tpu.dma_semaphore, #tpu.memory_space<semaphore_mem>>
      %dma_start3A_7 = arith.constant 0 : i32
      %dma_start3A_8 = tpu.memref_slice %arg4[%mul3A_2, %dma_start3A_7] : memref<3328x768xf32, #tpu.memory_space<hbm>> -> memref<104x768xf32, #tpu.memory_space<hbm>>
      %dma_start3A_9 = arith.constant 0 : i32
      %dma_start3A_10 = tpu.memref_slice %arg4[%mul3A_2, %dma_start3A_9] : memref<3328x768xf32, #tpu.memory_space<hbm>> -> memref<104x768xf32, #tpu.memory_space<hbm>>
      tpu.enqueue_dma source(%arg6 : memref<104x768xf32, #tpu.memory_space<vmem>>) target(%dma_start3A_10 : memref<104x768xf32, #tpu.memory_space<hbm>>) target_semaphore(%run_scoped3A : memref<!tpu.dma_semaphore, #tpu.memory_space<semaphore_mem>>)
      %dma_wait3A_11 = arith.constant 0 : i32
      %dma_wait3A_12 = tpu.memref_slice %arg4[%mul3A_2, %dma_wait3A_11] : memref<3328x768xf32, #tpu.memory_space<hbm>> -> memref<104x768xf32, #tpu.memory_space<hbm>>
      %dma_wait3A_13 = arith.constant 0 : i32
      %dma_wait3A_14 = tpu.memref_slice %arg4[%mul3A_2, %dma_wait3A_13] : memref<3328x768xf32, #tpu.memory_space<hbm>> -> memref<104x768xf32, #tpu.memory_space<hbm>>
      tpu.wait_dma2 semaphore(%run_scoped3A : memref<!tpu.dma_semaphore, #tpu.memory_space<semaphore_mem>>) src(%arg6 : memref<104x768xf32, #tpu.memory_space<vmem>>) dst(%dma_wait3A_14 : memref<104x768xf32, #tpu.memory_space<hbm>>)
      tpu.yield
    }) : () -> ()
    return
  }
}

#map = affine_map<(d0, d1) -> (0, 0)>
#map1 = affine_map<(d0, d1) -> (0)>
module attributes {stable_mosaic.version = 14 : i64} {
  func.func @new_body(%arg0: i32, %arg1: i32, %arg2: memref<32768x768xf32, #tpu.memory_space<hbm>>, %arg3: memref<3328x768xf32, #tpu.memory_space<hbm>>, %arg4: memref<3328xi32, #tpu.memory_space<hbm>>, %arg5: memref<32768x768xf32, #tpu.memory_space<hbm>>, %arg6: memref<104xi32, #tpu.memory_space<vmem>>, %arg7: memref<104x768xf32, #tpu.memory_space<vmem>>, %arg8: memref<!tpu.dma_semaphore, #tpu.memory_space<semaphore_mem>>) attributes {dimension_semantics = [#tpu.dimension_semantics<core_parallel>, #tpu.dimension_semantics<subcore_parallel>], iteration_bounds = array<i64: 2, 16>, scalar_prefetch = 0 : i64, scratch_operands = 3 : i64, tpu.core_type = #tpu.core_type<sc_vector_subcore>, window_params = [{transform_indices = #map}, {transform_indices = #map}, {transform_indices = #map1}, {transform_indices = #map}]} {
    %mul3A = arith.constant 2 : i32
    %mul3A_0 = arith.muli %arg1, %mul3A : i32
    %add3A = arith.addi %mul3A_0, %arg0 : i32
    %mul3A_1 = arith.constant 104 : i32
    %mul3A_2 = arith.muli %add3A, %mul3A_1 : i32
    "tpu.region"() ({
      %run_scoped3A = tpu.sem_alloc : memref<!tpu.dma_semaphore, #tpu.memory_space<semaphore_mem>>
      %dma_start3A_7 = tpu.memref_slice %arg4[%mul3A_2] : memref<3328xi32, #tpu.memory_space<hbm>> -> memref<104xi32, #tpu.memory_space<hbm>>
      %dma_start3A_8 = tpu.memref_slice %arg4[%mul3A_2] : memref<3328xi32, #tpu.memory_space<hbm>> -> memref<104xi32, #tpu.memory_space<hbm>>
      tpu.enqueue_dma source(%dma_start3A_8 : memref<104xi32, #tpu.memory_space<hbm>>) target(%arg6 : memref<104xi32, #tpu.memory_space<vmem>>) target_semaphore(%run_scoped3A : memref<!tpu.dma_semaphore, #tpu.memory_space<semaphore_mem>>)
      %dma_wait3A_9 = tpu.memref_slice %arg4[%mul3A_2] : memref<3328xi32, #tpu.memory_space<hbm>> -> memref<104xi32, #tpu.memory_space<hbm>>
      %dma_wait3A_10 = tpu.memref_slice %arg4[%mul3A_2] : memref<3328xi32, #tpu.memory_space<hbm>> -> memref<104xi32, #tpu.memory_space<hbm>>
      tpu.wait_dma2 semaphore(%run_scoped3A : memref<!tpu.dma_semaphore, #tpu.memory_space<semaphore_mem>>) src(%dma_wait3A_10 : memref<104xi32, #tpu.memory_space<hbm>>) dst(%arg6 : memref<104xi32, #tpu.memory_space<vmem>>)
      tpu.yield
    }) : () -> ()
    "tpu.region"() ({
      %run_scoped3A = tpu.sem_alloc : memref<!tpu.dma_semaphore, #tpu.memory_space<semaphore_mem>>
      %dma_start3A_7 = arith.constant 0 : i32
      %dma_start3A_8 = tpu.memref_slice %arg3[%mul3A_2, %dma_start3A_7] : memref<3328x768xf32, #tpu.memory_space<hbm>> -> memref<104x768xf32, #tpu.memory_space<hbm>>
      %dma_start3A_9 = arith.constant 0 : i32
      %dma_start3A_10 = tpu.memref_slice %arg3[%mul3A_2, %dma_start3A_9] : memref<3328x768xf32, #tpu.memory_space<hbm>> -> memref<104x768xf32, #tpu.memory_space<hbm>>
      tpu.enqueue_dma source(%dma_start3A_10 : memref<104x768xf32, #tpu.memory_space<hbm>>) target(%arg7 : memref<104x768xf32, #tpu.memory_space<vmem>>) target_semaphore(%run_scoped3A : memref<!tpu.dma_semaphore, #tpu.memory_space<semaphore_mem>>)
      %dma_wait3A_11 = arith.constant 0 : i32
      %dma_wait3A_12 = tpu.memref_slice %arg3[%mul3A_2, %dma_wait3A_11] : memref<3328x768xf32, #tpu.memory_space<hbm>> -> memref<104x768xf32, #tpu.memory_space<hbm>>
      %dma_wait3A_13 = arith.constant 0 : i32
      %dma_wait3A_14 = tpu.memref_slice %arg3[%mul3A_2, %dma_wait3A_13] : memref<3328x768xf32, #tpu.memory_space<hbm>> -> memref<104x768xf32, #tpu.memory_space<hbm>>
      tpu.wait_dma2 semaphore(%run_scoped3A : memref<!tpu.dma_semaphore, #tpu.memory_space<semaphore_mem>>) src(%dma_wait3A_14 : memref<104x768xf32, #tpu.memory_space<hbm>>) dst(%arg7 : memref<104x768xf32, #tpu.memory_space<vmem>>)
      tpu.yield
    }) : () -> ()
    %dma_start3A = arith.constant 0 : i32
    %dma_start3A_3 = arith.constant 0 : i32
    %dma_start3A_4 = tpu.memref_slice %arg2[%dma_start3A, %dma_start3A_3] : memref<32768x768xf32, #tpu.memory_space<hbm>> -> memref<32768x768xf32, #tpu.memory_space<hbm>>
    tpu.enqueue_indirect_dma source(%arg7 : memref<104x768xf32, #tpu.memory_space<vmem>>) target(%dma_start3A_4 : memref<32768x768xf32, #tpu.memory_space<hbm>>) offsets(%arg6 : memref<104xi32, #tpu.memory_space<vmem>>) semaphore(%arg8 : memref<!tpu.dma_semaphore, #tpu.memory_space<semaphore_mem>>)
    %dma_wait3A = arith.constant 0 : i32
    %dma_wait3A_5 = arith.constant 0 : i32
    %dma_wait3A_6 = tpu.memref_slice %arg2[%dma_wait3A, %dma_wait3A_5] : memref<32768x768xf32, #tpu.memory_space<hbm>> -> memref<32768x768xf32, #tpu.memory_space<hbm>>
    tpu.wait_indirect_dma semaphore(%arg8 : memref<!tpu.dma_semaphore, #tpu.memory_space<semaphore_mem>>) src(%arg7 : memref<104x768xf32, #tpu.memory_space<vmem>>) dst(%dma_wait3A_6 : memref<32768x768xf32, #tpu.memory_space<hbm>>)
    return
  }
}

#map = affine_map<(d0, d1) -> (0)>
module attributes {stable_mosaic.version = 14 : i64} {
  func.func @_compact_body(%arg0: i32, %arg1: i32, %arg2: memref<32768xf32, #tpu.memory_space<hbm>>, %arg3: memref<1024xf32, #tpu.memory_space<hbm>>, %arg4: memref<1024xi32, #tpu.memory_space<hbm>>, %arg5: memref<1024xi32, #tpu.memory_space<hbm>>, %arg6: memref<3328xi32, #tpu.memory_space<hbm>>, %arg7: memref<3328xf32, #tpu.memory_space<hbm>>, %arg8: memref<8192xf32, #tpu.memory_space<vmem>>, %arg9: memref<896xi32, #tpu.memory_space<vmem>>, %arg10: memref<896xf32, #tpu.memory_space<vmem>>, %arg11: memref<16xf32, #tpu.memory_space<vmem>>, %arg12: memref<16xi32, #tpu.memory_space<vmem>>, %arg13: memref<16xi32, #tpu.memory_space<vmem>>) attributes {dimension_semantics = [#tpu.dimension_semantics<core_parallel>, #tpu.dimension_semantics<subcore_parallel>], iteration_bounds = array<i64: 2, 16>, scalar_prefetch = 0 : i64, scratch_operands = 6 : i64, tpu.core_type = #tpu.core_type<sc_vector_subcore>, window_params = [{transform_indices = #map}, {transform_indices = #map}, {transform_indices = #map}, {transform_indices = #map}, {transform_indices = #map}, {transform_indices = #map}]} {
    %mul3A = arith.constant 2 : i32
    %mul3A_0 = arith.muli %arg1, %mul3A : i32
    %add3A = arith.addi %mul3A_0, %arg0 : i32
    %lt3A = arith.constant 4 : i32
    %lt3A_1 = arith.cmpi slt, %add3A, %lt3A : i32
    %convert_element_type3A = arith.extui %lt3A_1 : i1 to i32
    %cond3A = arith.constant 0 : i32
    %cond3A_2 = arith.cmpi ne, %convert_element_type3A, %cond3A : i32
    scf.if %cond3A_2 {
      %mul3A_3 = arith.constant 8192 : i32
      %mul3A_4 = arith.muli %add3A, %mul3A_3 : i32
      "tpu.region"() ({
        %run_scoped3A = tpu.sem_alloc : memref<!tpu.dma_semaphore, #tpu.memory_space<semaphore_mem>>
        %dma_start3A = tpu.memref_slice %arg2[%mul3A_4] : memref<32768xf32, #tpu.memory_space<hbm>> -> memref<8192xf32, #tpu.memory_space<hbm>>
        %dma_start3A_43 = tpu.memref_slice %arg2[%mul3A_4] : memref<32768xf32, #tpu.memory_space<hbm>> -> memref<8192xf32, #tpu.memory_space<hbm>>
        tpu.enqueue_dma source(%dma_start3A_43 : memref<8192xf32, #tpu.memory_space<hbm>>) target(%arg8 : memref<8192xf32, #tpu.memory_space<vmem>>) target_semaphore(%run_scoped3A : memref<!tpu.dma_semaphore, #tpu.memory_space<semaphore_mem>>)
        %dma_wait3A = tpu.memref_slice %arg2[%mul3A_4] : memref<32768xf32, #tpu.memory_space<hbm>> -> memref<8192xf32, #tpu.memory_space<hbm>>
        %dma_wait3A_44 = tpu.memref_slice %arg2[%mul3A_4] : memref<32768xf32, #tpu.memory_space<hbm>> -> memref<8192xf32, #tpu.memory_space<hbm>>
        tpu.wait_dma2 semaphore(%run_scoped3A : memref<!tpu.dma_semaphore, #tpu.memory_space<semaphore_mem>>) src(%dma_wait3A_44 : memref<8192xf32, #tpu.memory_space<hbm>>) dst(%arg8 : memref<8192xf32, #tpu.memory_space<vmem>>)
        tpu.yield
      }) : () -> ()
      %mul3A_5 = arith.constant 128 : i32
      %mul3A_6 = arith.muli %add3A, %mul3A_5 : i32
      "tpu.region"() ({
        %run_scoped3A = tpu.sem_alloc : memref<!tpu.dma_semaphore, #tpu.memory_space<semaphore_mem>>
        %dma_start3A = tpu.memref_slice %arg3[%mul3A_6] : memref<1024xf32, #tpu.memory_space<hbm>> -> memref<16xf32, #tpu.memory_space<hbm>>
        %dma_start3A_43 = tpu.memref_slice %arg3[%mul3A_6] : memref<1024xf32, #tpu.memory_space<hbm>> -> memref<16xf32, #tpu.memory_space<hbm>>
        tpu.enqueue_dma source(%dma_start3A_43 : memref<16xf32, #tpu.memory_space<hbm>>) target(%arg11 : memref<16xf32, #tpu.memory_space<vmem>>) target_semaphore(%run_scoped3A : memref<!tpu.dma_semaphore, #tpu.memory_space<semaphore_mem>>)
        %dma_wait3A = tpu.memref_slice %arg3[%mul3A_6] : memref<1024xf32, #tpu.memory_space<hbm>> -> memref<16xf32, #tpu.memory_space<hbm>>
        %dma_wait3A_44 = tpu.memref_slice %arg3[%mul3A_6] : memref<1024xf32, #tpu.memory_space<hbm>> -> memref<16xf32, #tpu.memory_space<hbm>>
        tpu.wait_dma2 semaphore(%run_scoped3A : memref<!tpu.dma_semaphore, #tpu.memory_space<semaphore_mem>>) src(%dma_wait3A_44 : memref<16xf32, #tpu.memory_space<hbm>>) dst(%arg11 : memref<16xf32, #tpu.memory_space<vmem>>)
        tpu.yield
      }) : () -> ()
      %mul3A_7 = arith.constant 128 : i32
      %mul3A_8 = arith.muli %add3A, %mul3A_7 : i32
      "tpu.region"() ({
        %run_scoped3A = tpu.sem_alloc : memref<!tpu.dma_semaphore, #tpu.memory_space<semaphore_mem>>
        %dma_start3A = tpu.memref_slice %arg4[%mul3A_8] : memref<1024xi32, #tpu.memory_space<hbm>> -> memref<16xi32, #tpu.memory_space<hbm>>
        %dma_start3A_43 = tpu.memref_slice %arg4[%mul3A_8] : memref<1024xi32, #tpu.memory_space<hbm>> -> memref<16xi32, #tpu.memory_space<hbm>>
        tpu.enqueue_dma source(%dma_start3A_43 : memref<16xi32, #tpu.memory_space<hbm>>) target(%arg12 : memref<16xi32, #tpu.memory_space<vmem>>) target_semaphore(%run_scoped3A : memref<!tpu.dma_semaphore, #tpu.memory_space<semaphore_mem>>)
        %dma_wait3A = tpu.memref_slice %arg4[%mul3A_8] : memref<1024xi32, #tpu.memory_space<hbm>> -> memref<16xi32, #tpu.memory_space<hbm>>
        %dma_wait3A_44 = tpu.memref_slice %arg4[%mul3A_8] : memref<1024xi32, #tpu.memory_space<hbm>> -> memref<16xi32, #tpu.memory_space<hbm>>
        tpu.wait_dma2 semaphore(%run_scoped3A : memref<!tpu.dma_semaphore, #tpu.memory_space<semaphore_mem>>) src(%dma_wait3A_44 : memref<16xi32, #tpu.memory_space<hbm>>) dst(%arg12 : memref<16xi32, #tpu.memory_space<vmem>>)
        tpu.yield
      }) : () -> ()
      %mul3A_9 = arith.constant 128 : i32
      %mul3A_10 = arith.muli %add3A, %mul3A_9 : i32
      "tpu.region"() ({
        %run_scoped3A = tpu.sem_alloc : memref<!tpu.dma_semaphore, #tpu.memory_space<semaphore_mem>>
        %dma_start3A = tpu.memref_slice %arg5[%mul3A_10] : memref<1024xi32, #tpu.memory_space<hbm>> -> memref<16xi32, #tpu.memory_space<hbm>>
        %dma_start3A_43 = tpu.memref_slice %arg5[%mul3A_10] : memref<1024xi32, #tpu.memory_space<hbm>> -> memref<16xi32, #tpu.memory_space<hbm>>
        tpu.enqueue_dma source(%dma_start3A_43 : memref<16xi32, #tpu.memory_space<hbm>>) target(%arg13 : memref<16xi32, #tpu.memory_space<vmem>>) target_semaphore(%run_scoped3A : memref<!tpu.dma_semaphore, #tpu.memory_space<semaphore_mem>>)
        %dma_wait3A = tpu.memref_slice %arg5[%mul3A_10] : memref<1024xi32, #tpu.memory_space<hbm>> -> memref<16xi32, #tpu.memory_space<hbm>>
        %dma_wait3A_44 = tpu.memref_slice %arg5[%mul3A_10] : memref<1024xi32, #tpu.memory_space<hbm>> -> memref<16xi32, #tpu.memory_space<hbm>>
        tpu.wait_dma2 semaphore(%run_scoped3A : memref<!tpu.dma_semaphore, #tpu.memory_space<semaphore_mem>>) src(%dma_wait3A_44 : memref<16xi32, #tpu.memory_space<hbm>>) dst(%arg13 : memref<16xi32, #tpu.memory_space<vmem>>)
        tpu.yield
      }) : () -> ()
      %get3A = arith.constant 0 : index
      %get3A_11 = tpu.vector_load %arg11[%get3A] {strides = array<i32>} : memref<16xf32, #tpu.memory_space<vmem>>, vector<16xf32>,
      %get3A_12 = arith.constant 0 : index
      %get3A_13 = tpu.vector_load %arg12[%get3A_12] {strides = array<i32>} : memref<16xi32, #tpu.memory_space<vmem>>, vector<16xi32>,
      %mul3A_14 = arith.constant 8192 : i32
      %mul3A_15 = arith.muli %add3A, %mul3A_14 : i32
      %get3A_16 = arith.constant 0 : index
      %get3A_17 = tpu.vector_load %arg13[%get3A_16] {strides = array<i32>} : memref<16xi32, #tpu.memory_space<vmem>>, vector<16xi32>,
      %add3A_18 = vector.broadcast %mul3A_15 : i32 to vector<16xi32>
      %add3A_19 = arith.addi %get3A_17, %add3A_18 : vector<16xi32>
      %broadcast_in_dim3A = arith.constant 0.000000e+00 : f32
      %broadcast_in_dim3A_20 = vector.broadcast %broadcast_in_dim3A : f32 to vector<16xf32>
      %scan3A = arith.constant 0 : i32
      %scan3A_21 = arith.constant 0 : i32
      %scan3A_22 = arith.constant 56 : i32
      %scan3A_23 = arith.addi %scan3A_21, %scan3A_22 : i32
      %scan3A_24 = arith.constant 1 : i32
      %scan3A_25 = scf.for %scan3A_43 = %scan3A_21 to %scan3A_23 step %scan3A_24 iter_args(%scan3A_44 = %scan3A) -> (i32)  : i32 {
        %mul3A_45 = arith.constant 16 : i32
        %mul3A_46 = arith.muli %scan3A_43, %mul3A_45 : i32
        %swap3A = arith.index_cast %mul3A_46 : i32 to index
        %swap3A_47 = tpu.vector_load %arg9[%swap3A] {strides = array<i32>} : memref<896xi32, #tpu.memory_space<vmem>>, vector<16xi32>,
        tpu.vector_store %arg9[%swap3A], %add3A_19 {strides = array<i32>} : memref<896xi32, #tpu.memory_space<vmem>>, vector<16xi32>,
        %mul3A_48 = arith.constant 16 : i32
        %mul3A_49 = arith.muli %scan3A_43, %mul3A_48 : i32
        %swap3A_50 = arith.index_cast %mul3A_49 : i32 to index
        %swap3A_51 = tpu.vector_load %arg10[%swap3A_50] {strides = array<i32>} : memref<896xf32, #tpu.memory_space<vmem>>, vector<16xf32>,
        tpu.vector_store %arg10[%swap3A_50], %broadcast_in_dim3A_20 {strides = array<i32>} : memref<896xf32, #tpu.memory_space<vmem>>, vector<16xf32>,
        %scan3A_52 = arith.constant 0 : i32
        scf.yield %scan3A_52 : i32
      }
      %scan3A_26 = arith.constant 56 : i32
      %iota3A = tpu.iota {dimensions = array<i32: 0>} : vector<16xi32>
      %broadcast_in_dim3A_27 = arith.constant 1 : i32
      %broadcast_in_dim3A_28 = vector.broadcast %broadcast_in_dim3A_27 : i32 to vector<16xi32>
      %broadcast_in_dim3A_29 = arith.constant 0 : i32
      %broadcast_in_dim3A_30 = vector.broadcast %broadcast_in_dim3A_29 : i32 to vector<16xi32>
      %scan3A_31 = arith.constant 0 : i32
      %scan3A_32 = arith.constant 0 : i32
      %scan3A_33 = arith.constant 0 : i32
      %scan3A_34 = arith.constant 512 : i32
      %scan3A_35 = arith.addi %scan3A_33, %scan3A_34 : i32
      %scan3A_36 = arith.constant 1 : i32
      %scan3A_37:2 = scf.for %scan3A_43 = %scan3A_33 to %scan3A_35 step %scan3A_36 iter_args(%scan3A_44 = %scan3A_31, %scan3A_45 = %scan3A_32) -> (i32, i32)  : i32 {
        %mul3A_46 = arith.constant 16 : i32
        %mul3A_47 = arith.muli %scan3A_43, %mul3A_46 : i32
        %get3A_48 = arith.index_cast %mul3A_47 : i32 to index
        %get3A_49 = tpu.vector_load %arg8[%get3A_48] {strides = array<i32>} : memref<8192xf32, #tpu.memory_space<vmem>>, vector<16xf32>,
        %gt3A = arith.cmpf ogt, %get3A_49, %get3A_11 : vector<16xf32>
        %eq3A = arith.cmpf oeq, %get3A_49, %get3A_11 : vector<16xf32>
        %select_n3A = arith.select %eq3A, %broadcast_in_dim3A_28, %broadcast_in_dim3A_30 : vector<16xi1>, vector<16xi32>
        %broadcast_in_dim3A_50 = arith.constant true
        %broadcast_in_dim3A_51 = vector.broadcast %broadcast_in_dim3A_50 : i1 to vector<16xi1>
        %masked_cumsum3A = tpu.scan <sum>, %select_n3A masked %broadcast_in_dim3A_51 : vector<16xi32>, vector<16xi1> -> vector<16xi32>
        %add3A_52 = vector.broadcast %scan3A_45 : i32 to vector<16xi32>
        %add3A_53 = arith.addi %add3A_52, %masked_cumsum3A : vector<16xi32>
        %sub3A = arith.constant 1 : i32
        %sub3A_54 = vector.broadcast %sub3A : i32 to vector<16xi32>
        %sub3A_55 = arith.subi %add3A_53, %sub3A_54 : vector<16xi32>
        %lt3A_56 = arith.cmpi slt, %sub3A_55, %get3A_13 : vector<16xi32>
        %and3A = arith.andi %eq3A, %lt3A_56 : vector<16xi1>
        %or3A = arith.ori %gt3A, %and3A : vector<16xi1>
        %select_n3A_57 = arith.select %or3A, %broadcast_in_dim3A_28, %broadcast_in_dim3A_30 : vector<16xi1>, vector<16xi32>
        %broadcast_in_dim3A_58 = arith.constant true
        %broadcast_in_dim3A_59 = vector.broadcast %broadcast_in_dim3A_58 : i1 to vector<16xi1>
        %masked_cumsum3A_60 = tpu.scan <sum>, %select_n3A_57 masked %broadcast_in_dim3A_59 : vector<16xi32>, vector<16xi1> -> vector<16xi32>
        %add3A_61 = vector.broadcast %scan3A_44 : i32 to vector<16xi32>
        %add3A_62 = arith.addi %add3A_61, %masked_cumsum3A_60 : vector<16xi32>
        %sub3A_63 = arith.constant 1 : i32
        %sub3A_64 = vector.broadcast %sub3A_63 : i32 to vector<16xi32>
        %sub3A_65 = arith.subi %add3A_62, %sub3A_64 : vector<16xi32>
        %add3A_66 = arith.constant 880 : i32
        %add3A_67 = vector.broadcast %add3A_66 : i32 to vector<16xi32>
        %add3A_68 = arith.addi %add3A_67, %iota3A : vector<16xi32>
        %select_n3A_69 = arith.select %or3A, %sub3A_65, %add3A_68 : vector<16xi1>, vector<16xi32>
        %mul3A_70 = arith.constant 16 : i32
        %mul3A_71 = arith.muli %scan3A_43, %mul3A_70 : i32
        %add3A_72 = arith.addi %mul3A_15, %mul3A_71 : i32
        %add3A_73 = vector.broadcast %add3A_72 : i32 to vector<16xi32>
        %add3A_74 = arith.addi %iota3A, %add3A_73 : vector<16xi32>
        %neg3A = arith.constant 0.000000e+00 : f32
        %neg3A_75 = vector.broadcast %neg3A : f32 to vector<16xf32>
        %neg3A_76 = arith.subf %neg3A_75, %get3A_49 : vector<16xf32>
        %exp3A = math.exp %neg3A_76 : vector<16xf32>
        %add3A_77 = arith.constant 1.000000e+00 : f32
        %add3A_78 = vector.broadcast %add3A_77 : f32 to vector<16xf32>
        %add3A_79 = arith.addf %add3A_78, %exp3A : vector<16xf32>
        %div3A = arith.constant 1.000000e+00 : f32
        %div3A_80 = vector.broadcast %div3A : f32 to vector<16xf32>
        %div3A_81 = arith.divf %div3A_80, %add3A_79 : vector<16xf32>
        tpu.vector_store_idx %arg9[%select_n3A_69], %add3A_74 : memref<896xi32, #tpu.memory_space<vmem>>[vector<16xi32>], vector<16xi32>,
        tpu.vector_store_idx %arg10[%select_n3A_69], %div3A_81 : memref<896xf32, #tpu.memory_space<vmem>>[vector<16xi32>], vector<16xf32>,
        %reduce_sum3A = arith.constant true
        %reduce_sum3A_82 = vector.broadcast %reduce_sum3A : i1 to vector<16xi1>
        %reduce_sum3A_83 = tpu.scan <sum>, %select_n3A_57 masked %reduce_sum3A_82 : vector<16xi32>, vector<16xi1> -> vector<16xi32>
        %reduce_sum3A_84 = vector.extract %reduce_sum3A_83[15] : i32 from vector<16xi32>
        %add3A_85 = arith.addi %scan3A_44, %reduce_sum3A_84 : i32
        %reduce_sum3A_86 = arith.constant true
        %reduce_sum3A_87 = vector.broadcast %reduce_sum3A_86 : i1 to vector<16xi1>
        %reduce_sum3A_88 = tpu.scan <sum>, %select_n3A masked %reduce_sum3A_87 : vector<16xi32>, vector<16xi1> -> vector<16xi32>
        %reduce_sum3A_89 = vector.extract %reduce_sum3A_88[15] : i32 from vector<16xi32>
        %add3A_90 = arith.addi %scan3A_45, %reduce_sum3A_89 : i32
        scf.yield %add3A_85, %add3A_90 : i32, i32
      }
      %scan3A_38 = arith.constant 512 : i32
      %mul3A_39 = arith.constant 832 : i32
      %mul3A_40 = arith.muli %add3A, %mul3A_39 : i32
      "tpu.region"() ({
        %run_scoped3A = tpu.sem_alloc : memref<!tpu.dma_semaphore, #tpu.memory_space<semaphore_mem>>
        %dma_start3A = arith.constant 0 : i32
        %dma_start3A_43 = tpu.memref_slice %arg9[%dma_start3A] : memref<896xi32, #tpu.memory_space<vmem>> -> memref<832xi32, #tpu.memory_space<vmem>>
        %dma_start3A_44 = tpu.memref_slice %arg6[%mul3A_40] : memref<3328xi32, #tpu.memory_space<hbm>> -> memref<832xi32, #tpu.memory_space<hbm>>
        %dma_start3A_45 = tpu.memref_slice %arg6[%mul3A_40] : memref<3328xi32, #tpu.memory_space<hbm>> -> memref<832xi32, #tpu.memory_space<hbm>>
        %dma_start3A_46 = arith.constant 0 : i32
        %dma_start3A_47 = tpu.memref_slice %arg9[%dma_start3A_46] : memref<896xi32, #tpu.memory_space<vmem>> -> memref<832xi32, #tpu.memory_space<vmem>>
        tpu.enqueue_dma source(%dma_start3A_47 : memref<832xi32, #tpu.memory_space<vmem>>) target(%dma_start3A_45 : memref<832xi32, #tpu.memory_space<hbm>>) target_semaphore(%run_scoped3A : memref<!tpu.dma_semaphore, #tpu.memory_space<semaphore_mem>>)
        %dma_wait3A = arith.constant 0 : i32
        %dma_wait3A_48 = tpu.memref_slice %arg9[%dma_wait3A] : memref<896xi32, #tpu.memory_space<vmem>> -> memref<832xi32, #tpu.memory_space<vmem>>
        %dma_wait3A_49 = tpu.memref_slice %arg6[%mul3A_40] : memref<3328xi32, #tpu.memory_space<hbm>> -> memref<832xi32, #tpu.memory_space<hbm>>
        %dma_wait3A_50 = tpu.memref_slice %arg6[%mul3A_40] : memref<3328xi32, #tpu.memory_space<hbm>> -> memref<832xi32, #tpu.memory_space<hbm>>
        %dma_wait3A_51 = arith.constant 0 : i32
        %dma_wait3A_52 = tpu.memref_slice %arg9[%dma_wait3A_51] : memref<896xi32, #tpu.memory_space<vmem>> -> memref<832xi32, #tpu.memory_space<vmem>>
        tpu.wait_dma2 semaphore(%run_scoped3A : memref<!tpu.dma_semaphore, #tpu.memory_space<semaphore_mem>>) src(%dma_wait3A_52 : memref<832xi32, #tpu.memory_space<vmem>>) dst(%dma_wait3A_50 : memref<832xi32, #tpu.memory_space<hbm>>)
        tpu.yield
      }) : () -> ()
      %mul3A_41 = arith.constant 832 : i32
      %mul3A_42 = arith.muli %add3A, %mul3A_41 : i32
      "tpu.region"() ({
        %run_scoped3A = tpu.sem_alloc : memref<!tpu.dma_semaphore, #tpu.memory_space<semaphore_mem>>
        %dma_start3A = arith.constant 0 : i32
        %dma_start3A_43 = tpu.memref_slice %arg10[%dma_start3A] : memref<896xf32, #tpu.memory_space<vmem>> -> memref<832xf32, #tpu.memory_space<vmem>>
        %dma_start3A_44 = tpu.memref_slice %arg7[%mul3A_42] : memref<3328xf32, #tpu.memory_space<hbm>> -> memref<832xf32, #tpu.memory_space<hbm>>
        %dma_start3A_45 = tpu.memref_slice %arg7[%mul3A_42] : memref<3328xf32, #tpu.memory_space<hbm>> -> memref<832xf32, #tpu.memory_space<hbm>>
        %dma_start3A_46 = arith.constant 0 : i32
        %dma_start3A_47 = tpu.memref_slice %arg10[%dma_start3A_46] : memref<896xf32, #tpu.memory_space<vmem>> -> memref<832xf32, #tpu.memory_space<vmem>>
        tpu.enqueue_dma source(%dma_start3A_47 : memref<832xf32, #tpu.memory_space<vmem>>) target(%dma_start3A_45 : memref<832xf32, #tpu.memory_space<hbm>>) target_semaphore(%run_scoped3A : memref<!tpu.dma_semaphore, #tpu.memory_space<semaphore_mem>>)
        %dma_wait3A = arith.constant 0 : i32
        %dma_wait3A_48 = tpu.memref_slice %arg10[%dma_wait3A] : memref<896xf32, #tpu.memory_space<vmem>> -> memref<832xf32, #tpu.memory_space<vmem>>
        %dma_wait3A_49 = tpu.memref_slice %arg7[%mul3A_42] : memref<3328xf32, #tpu.memory_space<hbm>> -> memref<832xf32, #tpu.memory_space<hbm>>
        %dma_wait3A_50 = tpu.memref_slice %arg7[%mul3A_42] : memref<3328xf32, #tpu.memory_space<hbm>> -> memref<832xf32, #tpu.memory_space<hbm>>
        %dma_wait3A_51 = arith.constant 0 : i32
        %dma_wait3A_52 = tpu.memref_slice %arg10[%dma_wait3A_51] : memref<896xf32, #tpu.memory_space<vmem>> -> memref<832xf32, #tpu.memory_space<vmem>>
        tpu.wait_dma2 semaphore(%run_scoped3A : memref<!tpu.dma_semaphore, #tpu.memory_space<semaphore_mem>>) src(%dma_wait3A_52 : memref<832xf32, #tpu.memory_space<vmem>>) dst(%dma_wait3A_50 : memref<832xf32, #tpu.memory_space<hbm>>)
        tpu.yield
      }) : () -> ()
    } else {
    }
    return
  }
}

module attributes {stable_mosaic.version = 14 : i64} {
  func.func @_router_body(%arg0: i32, %arg1: i32, %arg2: memref<1x512x768xf32, #tpu.memory_space<vmem>>, %arg3: memref<1x768xf32, #tpu.memory_space<vmem>>, %arg4: memref<1x512x768xf32, #tpu.memory_space<vmem>>, %arg5: memref<1x1x512xf32, #tpu.memory_space<vmem>>, %arg6: memref<8x128xf32, #tpu.memory_space<vmem>>, %arg7: memref<8x128xi32, #tpu.memory_space<vmem>>, %arg8: memref<8x128xi32, #tpu.memory_space<vmem>>, %arg9: memref<4x8192xf32, #tpu.memory_space<vmem>>) attributes {dimension_semantics = [#tpu.dimension_semantics<arbitrary>, #tpu.dimension_semantics<arbitrary>], iteration_bounds = array<i64: 4, 16>, scalar_prefetch = 0 : i64, scratch_operands = 1 : i64, tpu.core_type = #tpu.core_type<tc>, window_params = [{transform_indices = @transform_0, window_bounds = array<i64: 1, 512, 768>}, {pipeline_mode = #tpu.pipeline_mode<synchronous>, transform_indices = @transform_1, window_bounds = array<i64: 1, 768>}, {transform_indices = @transform_2, window_bounds = array<i64: 1, 512, 768>}, {transform_indices = @transform_3, window_bounds = array<i64: 1, 1, 512>}, {pipeline_mode = #tpu.pipeline_mode<synchronous>, transform_indices = @transform_4, window_bounds = array<i64: 8, 128>}, {pipeline_mode = #tpu.pipeline_mode<synchronous>, transform_indices = @transform_5, window_bounds = array<i64: 8, 128>}, {pipeline_mode = #tpu.pipeline_mode<synchronous>, transform_indices = @transform_6, window_bounds = array<i64: 8, 128>}]} {
    %get3A = arith.constant 0 : index
    %get3A_0 = arith.constant 0 : index
    %get3A_1 = arith.constant 0 : index
    %get3A_2 = vector.load %arg2[%get3A, %get3A_0, %get3A_1] : memref<1x512x768xf32, #tpu.memory_space<vmem>>, vector<1x512x768xf32>
    %get3A_3 = vector.shape_cast %get3A_2 : vector<1x512x768xf32> to vector<512x768xf32>
    %get3A_4 = arith.constant 0 : index
    %get3A_5 = arith.constant 0 : index
    %get3A_6 = arith.constant 0 : index
    %get3A_7 = vector.load %arg2[%get3A_4, %get3A_5, %get3A_6] : memref<1x512x768xf32, #tpu.memory_space<vmem>>, vector<1x512x768xf32>
    %swap3A = arith.constant 0 : index
    %swap3A_8 = arith.constant 0 : index
    %swap3A_9 = arith.constant 0 : index
    %swap3A_10 = vector.load %arg4[%swap3A, %swap3A_8, %swap3A_9] : memref<1x512x768xf32, #tpu.memory_space<vmem>>, vector<1x512x768xf32>
    tpu.vector_store %arg4[%swap3A, %swap3A_8, %swap3A_9], %get3A_7 {strides = array<i32>} : memref<1x512x768xf32, #tpu.memory_space<vmem>>, vector<1x512x768xf32>,
    %get3A_11 = arith.constant 0 : index
    %get3A_12 = arith.constant 0 : index
    %get3A_13 = vector.load %arg3[%get3A_11, %get3A_12] : memref<1x768xf32, #tpu.memory_space<vmem>>, vector<1x768xf32>
    %dot_general3A = arith.constant dense<0.000000e+00> : vector<512x1xf32>
    %dot_general3A_14 = tpu.matmul %get3A_3, %get3A_13, %dot_general3A {dimension_numbers = #tpu.dot_dimension_numbers<[1], [1], [0], [0], [0, 0, 1, 0], [], []>, transpose_lhs_hint = false} : vector<512x768xf32>, vector<1x768xf32>, vector<512x1xf32> -> vector<512x1xf32>
    %reshape3A = vector.shape_cast %dot_general3A_14 : vector<512x1xf32> to vector<1x1x512xf32>
    %swap3A_15 = arith.constant 0 : index
    %swap3A_16 = arith.constant 0 : index
    %swap3A_17 = arith.constant 0 : index
    %swap3A_18 = vector.load %arg5[%swap3A_15, %swap3A_16, %swap3A_17] : memref<1x1x512xf32, #tpu.memory_space<vmem>>, vector<1x1x512xf32>
    tpu.vector_store %arg5[%swap3A_15, %swap3A_16, %swap3A_17], %reshape3A {strides = array<i32>} : memref<1x1x512xf32, #tpu.memory_space<vmem>>, vector<1x1x512xf32>,
    %reshape3A_19 = vector.shape_cast %dot_general3A_14 : vector<512x1xf32> to vector<1x512xf32>
    %mul3A = arith.constant 512 : i32
    %mul3A_20 = arith.muli %arg1, %mul3A : i32
    %swap3A_21 = arith.index_cast %arg0 : i32 to index
    %swap3A_22 = arith.index_cast %mul3A_20 : i32 to index
    %swap3A_23 = vector.load %arg9[%swap3A_21, %swap3A_22] : memref<4x8192xf32, #tpu.memory_space<vmem>>, vector<1x512xf32>
    tpu.vector_store %arg9[%swap3A_21, %swap3A_22], %reshape3A_19 {strides = array<i32>} : memref<4x8192xf32, #tpu.memory_space<vmem>>, vector<1x512xf32>,
    %eq3A = arith.constant 3 : i32
    %eq3A_24 = arith.cmpi eq, %arg0, %eq3A : i32
    %eq3A_25 = arith.constant 15 : i32
    %eq3A_26 = arith.cmpi eq, %arg1, %eq3A_25 : i32
    %and3A = arith.andi %eq3A_24, %eq3A_26 : i1
    %convert_element_type3A = arith.extui %and3A : i1 to i32
    %cond3A = arith.constant 0 : i32
    %cond3A_27 = arith.cmpi ne, %convert_element_type3A, %cond3A : i32
    scf.if %cond3A_27 {
      %get3A_28 = arith.constant 0 : index
      %get3A_29 = arith.constant 0 : index
      %get3A_30 = vector.load %arg9[%get3A_28, %get3A_29] : memref<4x8192xf32, #tpu.memory_space<vmem>>, vector<4x8192xf32>
      %bitcast_convert_type3A = tpu.bitcast %get3A_30 : vector<4x8192xf32> -> vector<4x8192xi32>
      %ge3A = arith.constant 0 : i32
      %ge3A_31 = vector.broadcast %ge3A : i32 to vector<4x8192xi32>
      %ge3A_32 = arith.cmpi sge, %bitcast_convert_type3A, %ge3A_31 : vector<4x8192xi32>
      %xor3A = arith.constant 2147483647 : i32
      %xor3A_33 = vector.broadcast %xor3A : i32 to vector<4x8192xi32>
      %xor3A_34 = arith.xori %bitcast_convert_type3A, %xor3A_33 : vector<4x8192xi32>
      %select_n3A = arith.select %ge3A_32, %bitcast_convert_type3A, %xor3A_34 : vector<4x8192xi1>, vector<4x8192xi32>
      %broadcast_in_dim3A = arith.constant -2147483648 : i32
      %broadcast_in_dim3A_35 = vector.broadcast %broadcast_in_dim3A : i32 to vector<4x1xi32>
      %broadcast_in_dim3A_36 = arith.constant 2147483647 : i32
      %broadcast_in_dim3A_37 = vector.broadcast %broadcast_in_dim3A_36 : i32 to vector<4x1xi32>
      %scan3A = arith.constant 0 : i32
      %scan3A_38 = arith.constant 32 : i32
      %scan3A_39 = arith.addi %scan3A, %scan3A_38 : i32
      %scan3A_40 = arith.constant 1 : i32
      %scan3A_41:2 = scf.for %scan3A_82 = %scan3A to %scan3A_39 step %scan3A_40 iter_args(%scan3A_83 = %broadcast_in_dim3A_35, %scan3A_84 = %broadcast_in_dim3A_37) -> (vector<4x1xi32>, vector<4x1xi32>)  : i32 {
        %and3A_85 = arith.andi %scan3A_83, %scan3A_84 : vector<4x1xi32>
        %xor3A_86 = arith.xori %scan3A_83, %scan3A_84 : vector<4x1xi32>
        %shift_right_arithmetic3A = arith.constant 1 : i32
        %shift_right_arithmetic3A_87 = vector.broadcast %shift_right_arithmetic3A : i32 to vector<4x1xi32>
        %shift_right_arithmetic3A_88 = arith.shrsi %xor3A_86, %shift_right_arithmetic3A_87 : vector<4x1xi32>
        %add3A = arith.addi %and3A_85, %shift_right_arithmetic3A_88 : vector<4x1xi32>
        %gt3A_89 = vector.broadcast %add3A : vector<4x1xi32> to vector<4x8192xi32>
        %gt3A_90 = arith.cmpi sgt, %select_n3A, %gt3A_89 : vector<4x8192xi32>
        %convert_element_type3A_91 = arith.extui %gt3A_90 : vector<4x8192xi1> to vector<4x8192xi32>
        %reduce_sum3A_92 = arith.constant dense<0> : vector<4xi32>
        %reduce_sum3A_93 = vector.multi_reduction <add>, %convert_element_type3A_91, %reduce_sum3A_92 [1] : vector<4x8192xi32> to vector<4xi32>
        %broadcast_in_dim3A_94 = vector.shape_cast %reduce_sum3A_93 : vector<4xi32> to vector<4x1xi32>
        %lt3A = arith.constant 819 : i32
        %lt3A_95 = vector.broadcast %lt3A : i32 to vector<4x1xi32>
        %lt3A_96 = arith.cmpi slt, %broadcast_in_dim3A_94, %lt3A_95 : vector<4x1xi32>
        %add3A_97 = arith.constant 1 : i32
        %add3A_98 = vector.broadcast %add3A_97 : i32 to vector<4x1xi32>
        %add3A_99 = arith.addi %add3A, %add3A_98 : vector<4x1xi32>
        %select_n3A_100 = arith.select %lt3A_96, %scan3A_83, %add3A_99 : vector<4x1xi1>, vector<4x1xi32>
        %select_n3A_101 = arith.select %lt3A_96, %add3A, %scan3A_84 : vector<4x1xi1>, vector<4x1xi32>
        scf.yield %select_n3A_100, %select_n3A_101 : vector<4x1xi32>, vector<4x1xi32>
      }
      %gt3A = vector.broadcast %scan3A_41#0 : vector<4x1xi32> to vector<4x8192xi32>
      %gt3A_42 = arith.cmpi sgt, %select_n3A, %gt3A : vector<4x8192xi32>
      %convert_element_type3A_43 = arith.extui %gt3A_42 : vector<4x8192xi1> to vector<4x8192xi32>
      %reduce_sum3A = arith.constant dense<0> : vector<4xi32>
      %reduce_sum3A_44 = vector.multi_reduction <add>, %convert_element_type3A_43, %reduce_sum3A [1] : vector<4x8192xi32> to vector<4xi32>
      %broadcast_in_dim3A_45 = vector.shape_cast %reduce_sum3A_44 : vector<4xi32> to vector<4x1xi32>
      %sub3A = arith.constant 819 : i32
      %sub3A_46 = vector.broadcast %sub3A : i32 to vector<4x1xi32>
      %sub3A_47 = arith.subi %sub3A_46, %broadcast_in_dim3A_45 : vector<4x1xi32>
      %ge3A_48 = arith.constant 0 : i32
      %ge3A_49 = vector.broadcast %ge3A_48 : i32 to vector<4x1xi32>
      %ge3A_50 = arith.cmpi sge, %scan3A_41#0, %ge3A_49 : vector<4x1xi32>
      %xor3A_51 = arith.constant 2147483647 : i32
      %xor3A_52 = vector.broadcast %xor3A_51 : i32 to vector<4x1xi32>
      %xor3A_53 = arith.xori %scan3A_41#0, %xor3A_52 : vector<4x1xi32>
      %select_n3A_54 = arith.select %ge3A_50, %scan3A_41#0, %xor3A_53 : vector<4x1xi1>, vector<4x1xi32>
      %bitcast_convert_type3A_55 = tpu.bitcast %select_n3A_54 : vector<4x1xi32> -> vector<4x1xf32>
      %concatenate3A = tpu.concatenate %bitcast_convert_type3A_55, %bitcast_convert_type3A_55 in 0 : vector<4x1xf32>, vector<4x1xf32> -> vector<8x1xf32>
      %broadcast_in_dim3A_56 = vector.shape_cast %concatenate3A : vector<8x1xf32> to vector<8x1xf32>
      %broadcast_in_dim3A_57 = vector.broadcast %broadcast_in_dim3A_56 : vector<8x1xf32> to vector<8x128xf32>
      %swap3A_58 = arith.constant 0 : index
      %swap3A_59 = arith.constant 0 : index
      %swap3A_60 = vector.load %arg6[%swap3A_58, %swap3A_59] : memref<8x128xf32, #tpu.memory_space<vmem>>, vector<8x128xf32>
      tpu.vector_store %arg6[%swap3A_58, %swap3A_59], %broadcast_in_dim3A_57 {strides = array<i32>} : memref<8x128xf32, #tpu.memory_space<vmem>>, vector<8x128xf32>,
      %concatenate3A_61 = tpu.concatenate %sub3A_47, %sub3A_47 in 0 : vector<4x1xi32>, vector<4x1xi32> -> vector<8x1xi32>
      %broadcast_in_dim3A_62 = vector.shape_cast %concatenate3A_61 : vector<8x1xi32> to vector<8x1xi32>
      %broadcast_in_dim3A_63 = vector.broadcast %broadcast_in_dim3A_62 : vector<8x1xi32> to vector<8x128xi32>
      %swap3A_64 = arith.constant 0 : index
      %swap3A_65 = arith.constant 0 : index
      %swap3A_66 = vector.load %arg7[%swap3A_64, %swap3A_65] : memref<8x128xi32, #tpu.memory_space<vmem>>, vector<8x128xi32>
      tpu.vector_store %arg7[%swap3A_64, %swap3A_65], %broadcast_in_dim3A_63 {strides = array<i32>} : memref<8x128xi32, #tpu.memory_space<vmem>>, vector<8x128xi32>,
      %reduce_min3A = arith.constant dense<2147483647> : vector<4xi32>
      %reduce_min3A_67 = vector.multi_reduction <minsi>, %select_n3A, %reduce_min3A [1] : vector<4x8192xi32> to vector<4xi32>
      %broadcast_in_dim3A_68 = vector.shape_cast %reduce_min3A_67 : vector<4xi32> to vector<4x1xi32>
      %iota3A = tpu.iota {dimensions = array<i32: 1>} : vector<4x8192xi32>
      %eq3A_69 = vector.broadcast %broadcast_in_dim3A_68 : vector<4x1xi32> to vector<4x8192xi32>
      %eq3A_70 = arith.cmpi eq, %select_n3A, %eq3A_69 : vector<4x8192xi32>
      %jit3A = arith.constant 8192 : i32
      %broadcast_in_dim3A_71 = vector.broadcast %jit3A : i32 to vector<4x8192xi32>
      %select_n3A_72 = arith.select %eq3A_70, %iota3A, %broadcast_in_dim3A_71 : vector<4x8192xi1>, vector<4x8192xi32>
      %reduce_min3A_73 = arith.constant dense<2147483647> : vector<4xi32>
      %reduce_min3A_74 = vector.multi_reduction <minsi>, %select_n3A_72, %reduce_min3A_73 [1] : vector<4x8192xi32> to vector<4xi32>
      %broadcast_in_dim3A_75 = vector.shape_cast %reduce_min3A_74 : vector<4xi32> to vector<4x1xi32>
      %concatenate3A_76 = tpu.concatenate %broadcast_in_dim3A_75, %broadcast_in_dim3A_75 in 0 : vector<4x1xi32>, vector<4x1xi32> -> vector<8x1xi32>
      %broadcast_in_dim3A_77 = vector.shape_cast %concatenate3A_76 : vector<8x1xi32> to vector<8x1xi32>
      %broadcast_in_dim3A_78 = vector.broadcast %broadcast_in_dim3A_77 : vector<8x1xi32> to vector<8x128xi32>
      %swap3A_79 = arith.constant 0 : index
      %swap3A_80 = arith.constant 0 : index
      %swap3A_81 = vector.load %arg8[%swap3A_79, %swap3A_80] : memref<8x128xi32, #tpu.memory_space<vmem>>, vector<8x128xi32>
      tpu.vector_store %arg8[%swap3A_79, %swap3A_80], %broadcast_in_dim3A_78 {strides = array<i32>} : memref<8x128xi32, #tpu.memory_space<vmem>>, vector<8x128xi32>,
    } else {
    }
    return
  }
  func.func @transform_0(%arg0: i32, %arg1: i32) -> (i32, i32, i32) {
    %c0_i32 = arith.constant 0 : i32
    %c0_i32_0 = arith.constant 0 : i32
    return %arg0, %arg1, %c0_i32 : i32, i32, i32
  }
  func.func @transform_1(%arg0: i32, %arg1: i32) -> (i32, i32) {
    %c0_i32 = arith.constant 0 : i32
    %c0_i32_0 = arith.constant 0 : i32
    %c0_i32_1 = arith.constant 0 : i32
    return %c0_i32, %c0_i32_0 : i32, i32
  }
  func.func @transform_2(%arg0: i32, %arg1: i32) -> (i32, i32, i32) {
    %c0_i32 = arith.constant 0 : i32
    %c0_i32_0 = arith.constant 0 : i32
    return %arg0, %arg1, %c0_i32 : i32, i32, i32
  }
  func.func @transform_3(%arg0: i32, %arg1: i32) -> (i32, i32, i32) {
    %c0_i32 = arith.constant 0 : i32
    %c0_i32_0 = arith.constant 0 : i32
    return %arg0, %c0_i32, %arg1 : i32, i32, i32
  }
  func.func @transform_4(%arg0: i32, %arg1: i32) -> (i32, i32) {
    %c0_i32 = arith.constant 0 : i32
    %c0_i32_0 = arith.constant 0 : i32
    %c0_i32_1 = arith.constant 0 : i32
    return %c0_i32, %c0_i32_0 : i32, i32
  }
  func.func @transform_5(%arg0: i32, %arg1: i32) -> (i32, i32) {
    %c0_i32 = arith.constant 0 : i32
    %c0_i32_0 = arith.constant 0 : i32
    %c0_i32_1 = arith.constant 0 : i32
    return %c0_i32, %c0_i32_0 : i32, i32
  }
  func.func @transform_6(%arg0: i32, %arg1: i32) -> (i32, i32) {
    %c0_i32 = arith.constant 0 : i32
    %c0_i32_0 = arith.constant 0 : i32
    %c0_i32_1 = arith.constant 0 : i32
    return %c0_i32, %c0_i32_0 : i32, i32
  }
}

module attributes {stable_mosaic.version = 14 : i64} {
  func.func @_ada_body(%arg0: memref<4x768xf32, #tpu.memory_space<vmem>>, %arg1: memref<4608x768xf32, #tpu.memory_space<vmem>>, %arg2: memref<1x4608xf32, #tpu.memory_space<vmem>>, %arg3: memref<4x4608xf32, #tpu.memory_space<vmem>>) attributes {dimension_semantics = [], scalar_prefetch = 0 : i64, scratch_operands = 0 : i64, tpu.core_type = #tpu.core_type<tc>} {
    %get3A = arith.constant 0 : index
    %get3A_0 = arith.constant 0 : index
    %get3A_1 = vector.load %arg0[%get3A, %get3A_0] : memref<4x768xf32, #tpu.memory_space<vmem>>, vector<4x768xf32>
    %logistic3A = arith.negf %get3A_1 : vector<4x768xf32>
    %logistic3A_2 = math.exp %logistic3A : vector<4x768xf32>
    %logistic3A_3 = arith.constant 1.000000e+00 : f32
    %logistic3A_4 = vector.broadcast %logistic3A_3 : f32 to vector<4x768xf32>
    %logistic3A_5 = arith.addf %logistic3A_4, %logistic3A_2 : vector<4x768xf32>
    %logistic3A_6 = arith.divf %logistic3A_4, %logistic3A_5 : vector<4x768xf32>
    %mul3A = arith.mulf %get3A_1, %logistic3A_6 : vector<4x768xf32>
    %get3A_7 = arith.constant 0 : index
    %get3A_8 = arith.constant 0 : index
    %get3A_9 = vector.load %arg1[%get3A_7, %get3A_8] : memref<4608x768xf32, #tpu.memory_space<vmem>>, vector<4608x768xf32>
    %dot_general3A = arith.constant dense<0.000000e+00> : vector<4x4608xf32>
    %dot_general3A_10 = tpu.matmul %mul3A, %get3A_9, %dot_general3A {dimension_numbers = #tpu.dot_dimension_numbers<[1], [1], [0], [0], [0, 0, 1, 0], [], []>, transpose_lhs_hint = false} : vector<4x768xf32>, vector<4608x768xf32>, vector<4x4608xf32> -> vector<4x4608xf32>
    %get3A_11 = arith.constant 0 : index
    %get3A_12 = arith.constant 0 : index
    %get3A_13 = vector.load %arg2[%get3A_11, %get3A_12] : memref<1x4608xf32, #tpu.memory_space<vmem>>, vector<1x4608xf32>
    %add3A = vector.broadcast %get3A_13 : vector<1x4608xf32> to vector<4x4608xf32>
    %add3A_14 = arith.addf %dot_general3A_10, %add3A : vector<4x4608xf32>
    %swap3A = arith.constant 0 : index
    %swap3A_15 = arith.constant 0 : index
    %swap3A_16 = vector.load %arg3[%swap3A, %swap3A_15] : memref<4x4608xf32, #tpu.memory_space<vmem>>, vector<4x4608xf32>
    tpu.vector_store %arg3[%swap3A, %swap3A_15], %add3A_14 {strides = array<i32>} : memref<4x4608xf32, #tpu.memory_space<vmem>>, vector<4x4608xf32>,
    return
  }
}

module attributes {stable_mosaic.version = 14 : i64} {
  func.func @_mlp_body(%arg0: i32, %arg1: i32, %arg2: memref<1x832x768xf32, #tpu.memory_space<vmem>>, %arg3: memref<4x4608xf32, #tpu.memory_space<vmem>>, %arg4: memref<768x768xf32, #tpu.memory_space<vmem>>, %arg5: memref<1x3072xf32, #tpu.memory_space<vmem>>, %arg6: memref<768x768xf32, #tpu.memory_space<vmem>>, %arg7: memref<4x832xf32, #tpu.memory_space<vmem>>, %arg8: memref<1x832x768xf32, #tpu.memory_space<vmem>>) attributes {dimension_semantics = [#tpu.dimension_semantics<arbitrary>, #tpu.dimension_semantics<arbitrary>], iteration_bounds = array<i64: 4, 4>, scalar_prefetch = 0 : i64, scratch_operands = 0 : i64, tpu.core_type = #tpu.core_type<tc>, window_params = [{transform_indices = @transform_0, window_bounds = array<i64: 1, 832, 768>}, {pipeline_mode = #tpu.pipeline_mode<synchronous>, transform_indices = @transform_1, window_bounds = array<i64: 4, 4608>}, {transform_indices = @transform_2, window_bounds = array<i64: 768, 768>}, {pipeline_mode = #tpu.pipeline_mode<synchronous>, transform_indices = @transform_3, window_bounds = array<i64: 1, 3072>}, {transform_indices = @transform_4, window_bounds = array<i64: 768, 768>}, {pipeline_mode = #tpu.pipeline_mode<synchronous>, transform_indices = @transform_5, window_bounds = array<i64: 4, 832>}, {transform_indices = @transform_6, window_bounds = array<i64: 1, 832, 768>}]} {
    %get3A = arith.constant 0 : index
    %get3A_0 = arith.constant 0 : index
    %get3A_1 = arith.constant 0 : index
    %get3A_2 = vector.load %arg2[%get3A, %get3A_0, %get3A_1] : memref<1x832x768xf32, #tpu.memory_space<vmem>>, vector<1x832x768xf32>
    %get3A_3 = vector.shape_cast %get3A_2 : vector<1x832x768xf32> to vector<832x768xf32>
    %reduce_sum3A = arith.constant dense<0.000000e+00> : vector<832xf32>
    %reduce_sum3A_4 = vector.multi_reduction <add>, %get3A_3, %reduce_sum3A [1] : vector<832x768xf32> to vector<832xf32>
    %broadcast_in_dim3A = vector.shape_cast %reduce_sum3A_4 : vector<832xf32> to vector<832x1xf32>
    %div3A = arith.constant 7.680000e+02 : f32
    %div3A_5 = vector.broadcast %div3A : f32 to vector<832x1xf32>
    %div3A_6 = arith.divf %broadcast_in_dim3A, %div3A_5 : vector<832x1xf32>
    %sub3A = vector.broadcast %div3A_6 : vector<832x1xf32> to vector<832x768xf32>
    %sub3A_7 = arith.subf %get3A_3, %sub3A : vector<832x768xf32>
    %mul3A = arith.mulf %sub3A_7, %sub3A_7 : vector<832x768xf32>
    %reduce_sum3A_8 = arith.constant dense<0.000000e+00> : vector<832xf32>
    %reduce_sum3A_9 = vector.multi_reduction <add>, %mul3A, %reduce_sum3A_8 [1] : vector<832x768xf32> to vector<832xf32>
    %broadcast_in_dim3A_10 = vector.shape_cast %reduce_sum3A_9 : vector<832xf32> to vector<832x1xf32>
    %div3A_11 = arith.constant 7.680000e+02 : f32
    %div3A_12 = vector.broadcast %div3A_11 : f32 to vector<832x1xf32>
    %div3A_13 = arith.divf %broadcast_in_dim3A_10, %div3A_12 : vector<832x1xf32>
    %add3A = arith.constant 9.99999997E-7 : f32
    %add3A_14 = vector.broadcast %add3A : f32 to vector<832x1xf32>
    %add3A_15 = arith.addf %div3A_13, %add3A_14 : vector<832x1xf32>
    %rsqrt3A = math.rsqrt %add3A_15 : vector<832x1xf32>
    %mul3A_16 = vector.broadcast %rsqrt3A : vector<832x1xf32> to vector<832x768xf32>
    %mul3A_17 = arith.mulf %sub3A_7, %mul3A_16 : vector<832x768xf32>
    %get3A_18 = arith.index_cast %arg0 : i32 to index
    %get3A_19 = arith.constant 2304 : index
    %get3A_20 = vector.load %arg3[%get3A_18, %get3A_19] : memref<4x4608xf32, #tpu.memory_space<vmem>>, vector<1x768xf32>
    %get3A_21 = arith.index_cast %arg0 : i32 to index
    %get3A_22 = arith.constant 3072 : index
    %get3A_23 = vector.load %arg3[%get3A_21, %get3A_22] : memref<4x4608xf32, #tpu.memory_space<vmem>>, vector<1x768xf32>
    %add3A_24 = arith.constant 1.000000e+00 : f32
    %add3A_25 = vector.broadcast %add3A_24 : f32 to vector<1x768xf32>
    %add3A_26 = arith.addf %add3A_25, %get3A_23 : vector<1x768xf32>
    %mul3A_27 = vector.broadcast %add3A_26 : vector<1x768xf32> to vector<832x768xf32>
    %mul3A_28 = arith.mulf %mul3A_17, %mul3A_27 : vector<832x768xf32>
    %add3A_29 = vector.broadcast %get3A_20 : vector<1x768xf32> to vector<832x768xf32>
    %add3A_30 = arith.addf %mul3A_28, %add3A_29 : vector<832x768xf32>
    %get3A_31 = arith.constant 0 : index
    %get3A_32 = arith.constant 0 : index
    %get3A_33 = vector.load %arg4[%get3A_31, %get3A_32] : memref<768x768xf32, #tpu.memory_space<vmem>>, vector<768x768xf32>
    %convert_element_type3A = arith.truncf %add3A_30 : vector<832x768xf32> to vector<832x768xbf16>
    %convert_element_type3A_34 = arith.truncf %get3A_33 : vector<768x768xf32> to vector<768x768xbf16>
    %dot_general3A = arith.constant dense<0.000000e+00> : vector<832x768xf32>
    %dot_general3A_35 = tpu.matmul %convert_element_type3A, %convert_element_type3A_34, %dot_general3A {dimension_numbers = #tpu.dot_dimension_numbers<[1], [1], [0], [0], [0, 0, 1, 0], [], []>, transpose_lhs_hint = false} : vector<832x768xbf16>, vector<768x768xbf16>, vector<832x768xf32> -> vector<832x768xf32>
    %mul3A_36 = arith.constant 768 : i32
    %mul3A_37 = arith.muli %arg1, %mul3A_36 : i32
    %get3A_38 = arith.constant 0 : index
    %get3A_39 = arith.index_cast %mul3A_37 : i32 to index
    %get3A_40 = vector.load %arg5[%get3A_38, %get3A_39] : memref<1x3072xf32, #tpu.memory_space<vmem>>, vector<1x768xf32>
    %get3A_41 = vector.shape_cast %get3A_40 : vector<1x768xf32> to vector<768xf32>
    %reshape3A = vector.shape_cast %get3A_41 : vector<768xf32> to vector<1x768xf32>
    %add3A_42 = vector.broadcast %reshape3A : vector<1x768xf32> to vector<832x768xf32>
    %add3A_43 = arith.addf %dot_general3A_35, %add3A_42 : vector<832x768xf32>
    %integer_pow3A = arith.mulf %add3A_43, %add3A_43 : vector<832x768xf32>
    %integer_pow3A_44 = arith.mulf %add3A_43, %integer_pow3A : vector<832x768xf32>
    %mul3A_45 = arith.constant 4.471500e-02 : f32
    %mul3A_46 = vector.broadcast %mul3A_45 : f32 to vector<832x768xf32>
    %mul3A_47 = arith.mulf %mul3A_46, %integer_pow3A_44 : vector<832x768xf32>
    %add3A_48 = arith.addf %add3A_43, %mul3A_47 : vector<832x768xf32>
    %mul3A_49 = arith.constant 0.797884583 : f32
    %mul3A_50 = vector.broadcast %mul3A_49 : f32 to vector<832x768xf32>
    %mul3A_51 = arith.mulf %mul3A_50, %add3A_48 : vector<832x768xf32>
    %tanh3A = math.tanh %mul3A_51 : vector<832x768xf32>
    %add3A_52 = arith.constant 1.000000e+00 : f32
    %add3A_53 = vector.broadcast %add3A_52 : f32 to vector<832x768xf32>
    %add3A_54 = arith.addf %add3A_53, %tanh3A : vector<832x768xf32>
    %mul3A_55 = arith.constant 5.000000e-01 : f32
    %mul3A_56 = vector.broadcast %mul3A_55 : f32 to vector<832x768xf32>
    %mul3A_57 = arith.mulf %mul3A_56, %add3A_54 : vector<832x768xf32>
    %mul3A_58 = arith.mulf %add3A_43, %mul3A_57 : vector<832x768xf32>
    %get3A_59 = arith.constant 0 : index
    %get3A_60 = arith.constant 0 : index
    %get3A_61 = vector.load %arg6[%get3A_59, %get3A_60] : memref<768x768xf32, #tpu.memory_space<vmem>>, vector<768x768xf32>
    %convert_element_type3A_62 = arith.truncf %mul3A_58 : vector<832x768xf32> to vector<832x768xbf16>
    %convert_element_type3A_63 = arith.truncf %get3A_61 : vector<768x768xf32> to vector<768x768xbf16>
    %dot_general3A_64 = arith.constant dense<0.000000e+00> : vector<832x768xf32>
    %dot_general3A_65 = tpu.matmul %convert_element_type3A_62, %convert_element_type3A_63, %dot_general3A_64 {dimension_numbers = #tpu.dot_dimension_numbers<[1], [1], [0], [0], [0, 0, 1, 0], [], []>, transpose_lhs_hint = false} : vector<832x768xbf16>, vector<768x768xbf16>, vector<832x768xf32> -> vector<832x768xf32>
    %get3A_66 = arith.index_cast %arg0 : i32 to index
    %get3A_67 = arith.constant 3840 : index
    %get3A_68 = vector.load %arg3[%get3A_66, %get3A_67] : memref<4x4608xf32, #tpu.memory_space<vmem>>, vector<1x768xf32>
    %get3A_69 = arith.index_cast %arg0 : i32 to index
    %get3A_70 = arith.constant 0 : index
    %get3A_71 = vector.load %arg7[%get3A_69, %get3A_70] : memref<4x832xf32, #tpu.memory_space<vmem>>, vector<1x832xf32>
    %reshape3A_72 = vector.shape_cast %get3A_71 : vector<1x832xf32> to vector<832x1xf32>
    %mul3A_73 = vector.broadcast %get3A_68 : vector<1x768xf32> to vector<832x768xf32>
    %mul3A_74 = arith.mulf %mul3A_73, %dot_general3A_65 : vector<832x768xf32>
    %mul3A_75 = vector.broadcast %reshape3A_72 : vector<832x1xf32> to vector<832x768xf32>
    %mul3A_76 = arith.mulf %mul3A_75, %mul3A_74 : vector<832x768xf32>
    %iota3A = tpu.iota {dimensions = array<i32: 0>} : vector<832x1xi32>
    %ge3A = arith.constant 819 : i32
    %ge3A_77 = vector.broadcast %ge3A : i32 to vector<832x1xi32>
    %ge3A_78 = arith.cmpi sge, %iota3A, %ge3A_77 : vector<832x1xi32>
    %eq3A = arith.constant 0 : i32
    %eq3A_79 = arith.cmpi eq, %arg1, %eq3A : i32
    %convert_element_type3A_80 = arith.extui %eq3A_79 : i1 to i32
    %cond3A = arith.constant 0 : i32
    %cond3A_81 = arith.cmpi ne, %convert_element_type3A_80, %cond3A : i32
    scf.if %cond3A_81 {
      %add3A_86 = arith.addf %get3A_3, %mul3A_76 : vector<832x768xf32>
      %broadcast_in_dim3A_87 = vector.shape_cast %ge3A_78 : vector<832x1xi1> to vector<832x1xi1>
      %broadcast_in_dim3A_88 = vector.broadcast %broadcast_in_dim3A_87 : vector<832x1xi1> to vector<832x768xi1>
      %select_n3A = arith.select %broadcast_in_dim3A_88, %get3A_3, %add3A_86 : vector<832x768xi1>, vector<832x768xf32>
      %reshape3A_89 = vector.shape_cast %select_n3A : vector<832x768xf32> to vector<1x832x768xf32>
      %swap3A = arith.constant 0 : index
      %swap3A_90 = arith.constant 0 : index
      %swap3A_91 = arith.constant 0 : index
      %swap3A_92 = vector.load %arg8[%swap3A, %swap3A_90, %swap3A_91] : memref<1x832x768xf32, #tpu.memory_space<vmem>>, vector<1x832x768xf32>
      tpu.vector_store %arg8[%swap3A, %swap3A_90, %swap3A_91], %reshape3A_89 {strides = array<i32>} : memref<1x832x768xf32, #tpu.memory_space<vmem>>, vector<1x832x768xf32>,
    } else {
    }
    %gt3A = arith.constant 0 : i32
    %gt3A_82 = arith.cmpi sgt, %arg1, %gt3A : i32
    %convert_element_type3A_83 = arith.extui %gt3A_82 : i1 to i32
    %cond3A_84 = arith.constant 0 : i32
    %cond3A_85 = arith.cmpi ne, %convert_element_type3A_83, %cond3A_84 : i32
    scf.if %cond3A_85 {
      %get3A_86 = arith.constant 0 : index
      %get3A_87 = arith.constant 0 : index
      %get3A_88 = arith.constant 0 : index
      %get3A_89 = vector.load %arg8[%get3A_86, %get3A_87, %get3A_88] : memref<1x832x768xf32, #tpu.memory_space<vmem>>, vector<1x832x768xf32>
      %reshape3A_90 = vector.shape_cast %get3A_89 : vector<1x832x768xf32> to vector<832x768xf32>
      %add3A_91 = arith.addf %reshape3A_90, %mul3A_76 : vector<832x768xf32>
      %broadcast_in_dim3A_92 = vector.shape_cast %ge3A_78 : vector<832x1xi1> to vector<832x1xi1>
      %broadcast_in_dim3A_93 = vector.broadcast %broadcast_in_dim3A_92 : vector<832x1xi1> to vector<832x768xi1>
      %select_n3A = arith.select %broadcast_in_dim3A_93, %reshape3A_90, %add3A_91 : vector<832x768xi1>, vector<832x768xf32>
      %reshape3A_94 = vector.shape_cast %select_n3A : vector<832x768xf32> to vector<1x832x768xf32>
      %swap3A = arith.constant 0 : index
      %swap3A_95 = arith.constant 0 : index
      %swap3A_96 = arith.constant 0 : index
      %swap3A_97 = vector.load %arg8[%swap3A, %swap3A_95, %swap3A_96] : memref<1x832x768xf32, #tpu.memory_space<vmem>>, vector<1x832x768xf32>
      tpu.vector_store %arg8[%swap3A, %swap3A_95, %swap3A_96], %reshape3A_94 {strides = array<i32>} : memref<1x832x768xf32, #tpu.memory_space<vmem>>, vector<1x832x768xf32>,
    } else {
    }
    return
  }
  func.func @transform_0(%arg0: i32, %arg1: i32) -> (i32, i32, i32) {
    %c0_i32 = arith.constant 0 : i32
    %c0_i32_0 = arith.constant 0 : i32
    %c0_i32_1 = arith.constant 0 : i32
    return %arg0, %c0_i32, %c0_i32_0 : i32, i32, i32
  }
  func.func @transform_1(%arg0: i32, %arg1: i32) -> (i32, i32) {
    %c0_i32 = arith.constant 0 : i32
    %c0_i32_0 = arith.constant 0 : i32
    %c0_i32_1 = arith.constant 0 : i32
    return %c0_i32, %c0_i32_0 : i32, i32
  }
  func.func @transform_2(%arg0: i32, %arg1: i32) -> (i32, i32) {
    %c0_i32 = arith.constant 0 : i32
    %c0_i32_0 = arith.constant 0 : i32
    return %arg1, %c0_i32 : i32, i32
  }
  func.func @transform_3(%arg0: i32, %arg1: i32) -> (i32, i32) {
    %c0_i32 = arith.constant 0 : i32
    %c0_i32_0 = arith.constant 0 : i32
    %c0_i32_1 = arith.constant 0 : i32
    return %c0_i32, %c0_i32_0 : i32, i32
  }
  func.func @transform_4(%arg0: i32, %arg1: i32) -> (i32, i32) {
    %c0_i32 = arith.constant 0 : i32
    %c0_i32_0 = arith.constant 0 : i32
    return %c0_i32, %arg1 : i32, i32
  }
  func.func @transform_5(%arg0: i32, %arg1: i32) -> (i32, i32) {
    %c0_i32 = arith.constant 0 : i32
    %c0_i32_0 = arith.constant 0 : i32
    %c0_i32_1 = arith.constant 0 : i32
    return %c0_i32, %c0_i32_0 : i32, i32
  }
  func.func @transform_6(%arg0: i32, %arg1: i32) -> (i32, i32, i32) {
    %c0_i32 = arith.constant 0 : i32
    %c0_i32_0 = arith.constant 0 : i32
    %c0_i32_1 = arith.constant 0 : i32
    return %arg0, %c0_i32, %c0_i32_0 : i32, i32, i32
  }
}

module attributes {stable_mosaic.version = 14 : i64} {
  func.func @_attnblock_body(%arg0: i32, %arg1: memref<1x832x768xf32, #tpu.memory_space<vmem>>, %arg2: memref<4x4608xf32, #tpu.memory_space<vmem>>, %arg3: memref<2304x768xf32, #tpu.memory_space<vmem>>, %arg4: memref<1x2304xf32, #tpu.memory_space<vmem>>, %arg5: memref<768x768xf32, #tpu.memory_space<vmem>>, %arg6: memref<1x768xf32, #tpu.memory_space<vmem>>, %arg7: memref<1x832x768xf32, #tpu.memory_space<vmem>>, %arg8: memref<832x2304xf32, #tpu.memory_space<vmem>>) attributes {dimension_semantics = [#tpu.dimension_semantics<arbitrary>], iteration_bounds = array<i64: 4>, scalar_prefetch = 0 : i64, scratch_operands = 1 : i64, tpu.core_type = #tpu.core_type<tc>, window_params = [{transform_indices = @transform_0, window_bounds = array<i64: 1, 832, 768>}, {pipeline_mode = #tpu.pipeline_mode<synchronous>, transform_indices = @transform_1, window_bounds = array<i64: 4, 4608>}, {pipeline_mode = #tpu.pipeline_mode<synchronous>, transform_indices = @transform_2, window_bounds = array<i64: 2304, 768>}, {pipeline_mode = #tpu.pipeline_mode<synchronous>, transform_indices = @transform_3, window_bounds = array<i64: 1, 2304>}, {pipeline_mode = #tpu.pipeline_mode<synchronous>, transform_indices = @transform_4, window_bounds = array<i64: 768, 768>}, {pipeline_mode = #tpu.pipeline_mode<synchronous>, transform_indices = @transform_5, window_bounds = array<i64: 1, 768>}, {transform_indices = @transform_6, window_bounds = array<i64: 1, 832, 768>}]} {
    %get3A = arith.constant 0 : index
    %get3A_0 = arith.constant 0 : index
    %get3A_1 = arith.constant 0 : index
    %get3A_2 = vector.load %arg1[%get3A, %get3A_0, %get3A_1] : memref<1x832x768xf32, #tpu.memory_space<vmem>>, vector<1x832x768xf32>
    %get3A_3 = vector.shape_cast %get3A_2 : vector<1x832x768xf32> to vector<832x768xf32>
    %reduce_sum3A = arith.constant dense<0.000000e+00> : vector<832xf32>
    %reduce_sum3A_4 = vector.multi_reduction <add>, %get3A_3, %reduce_sum3A [1] : vector<832x768xf32> to vector<832xf32>
    %broadcast_in_dim3A = vector.shape_cast %reduce_sum3A_4 : vector<832xf32> to vector<832x1xf32>
    %div3A = arith.constant 7.680000e+02 : f32
    %div3A_5 = vector.broadcast %div3A : f32 to vector<832x1xf32>
    %div3A_6 = arith.divf %broadcast_in_dim3A, %div3A_5 : vector<832x1xf32>
    %sub3A = vector.broadcast %div3A_6 : vector<832x1xf32> to vector<832x768xf32>
    %sub3A_7 = arith.subf %get3A_3, %sub3A : vector<832x768xf32>
    %mul3A = arith.mulf %sub3A_7, %sub3A_7 : vector<832x768xf32>
    %reduce_sum3A_8 = arith.constant dense<0.000000e+00> : vector<832xf32>
    %reduce_sum3A_9 = vector.multi_reduction <add>, %mul3A, %reduce_sum3A_8 [1] : vector<832x768xf32> to vector<832xf32>
    %broadcast_in_dim3A_10 = vector.shape_cast %reduce_sum3A_9 : vector<832xf32> to vector<832x1xf32>
    %div3A_11 = arith.constant 7.680000e+02 : f32
    %div3A_12 = vector.broadcast %div3A_11 : f32 to vector<832x1xf32>
    %div3A_13 = arith.divf %broadcast_in_dim3A_10, %div3A_12 : vector<832x1xf32>
    %add3A = arith.constant 9.99999997E-7 : f32
    %add3A_14 = vector.broadcast %add3A : f32 to vector<832x1xf32>
    %add3A_15 = arith.addf %div3A_13, %add3A_14 : vector<832x1xf32>
    %rsqrt3A = math.rsqrt %add3A_15 : vector<832x1xf32>
    %mul3A_16 = vector.broadcast %rsqrt3A : vector<832x1xf32> to vector<832x768xf32>
    %mul3A_17 = arith.mulf %sub3A_7, %mul3A_16 : vector<832x768xf32>
    %get3A_18 = arith.index_cast %arg0 : i32 to index
    %get3A_19 = arith.constant 0 : index
    %get3A_20 = vector.load %arg2[%get3A_18, %get3A_19] : memref<4x4608xf32, #tpu.memory_space<vmem>>, vector<1x768xf32>
    %get3A_21 = arith.index_cast %arg0 : i32 to index
    %get3A_22 = arith.constant 768 : index
    %get3A_23 = vector.load %arg2[%get3A_21, %get3A_22] : memref<4x4608xf32, #tpu.memory_space<vmem>>, vector<1x768xf32>
    %add3A_24 = arith.constant 1.000000e+00 : f32
    %add3A_25 = vector.broadcast %add3A_24 : f32 to vector<1x768xf32>
    %add3A_26 = arith.addf %add3A_25, %get3A_23 : vector<1x768xf32>
    %mul3A_27 = vector.broadcast %add3A_26 : vector<1x768xf32> to vector<832x768xf32>
    %mul3A_28 = arith.mulf %mul3A_17, %mul3A_27 : vector<832x768xf32>
    %add3A_29 = vector.broadcast %get3A_20 : vector<1x768xf32> to vector<832x768xf32>
    %add3A_30 = arith.addf %mul3A_28, %add3A_29 : vector<832x768xf32>
    %get3A_31 = arith.constant 0 : index
    %get3A_32 = arith.constant 0 : index
    %get3A_33 = vector.load %arg3[%get3A_31, %get3A_32] : memref<2304x768xf32, #tpu.memory_space<vmem>>, vector<2304x768xf32>
    %convert_element_type3A = arith.truncf %add3A_30 : vector<832x768xf32> to vector<832x768xbf16>
    %convert_element_type3A_34 = arith.truncf %get3A_33 : vector<2304x768xf32> to vector<2304x768xbf16>
    %dot_general3A = arith.constant dense<0.000000e+00> : vector<832x2304xf32>
    %dot_general3A_35 = tpu.matmul %convert_element_type3A, %convert_element_type3A_34, %dot_general3A {dimension_numbers = #tpu.dot_dimension_numbers<[1], [1], [0], [0], [0, 0, 1, 0], [], []>, transpose_lhs_hint = false} : vector<832x768xbf16>, vector<2304x768xbf16>, vector<832x2304xf32> -> vector<832x2304xf32>
    %get3A_36 = arith.constant 0 : index
    %get3A_37 = arith.constant 0 : index
    %get3A_38 = vector.load %arg4[%get3A_36, %get3A_37] : memref<1x2304xf32, #tpu.memory_space<vmem>>, vector<1x2304xf32>
    %add3A_39 = vector.broadcast %get3A_38 : vector<1x2304xf32> to vector<832x2304xf32>
    %add3A_40 = arith.addf %dot_general3A_35, %add3A_39 : vector<832x2304xf32>
    %swap3A = arith.constant 0 : index
    %swap3A_41 = arith.constant 0 : index
    %swap3A_42 = vector.load %arg8[%swap3A, %swap3A_41] : memref<832x2304xf32, #tpu.memory_space<vmem>>, vector<832x2304xf32>
    tpu.vector_store %arg8[%swap3A, %swap3A_41], %add3A_40 {strides = array<i32>} : memref<832x2304xf32, #tpu.memory_space<vmem>>, vector<832x2304xf32>,
    %iota3A = tpu.iota {dimensions = array<i32: 1>} : vector<832x832xi32>
    %ge3A = arith.constant 819 : i32
    %ge3A_43 = vector.broadcast %ge3A : i32 to vector<832x832xi32>
    %ge3A_44 = arith.cmpi sge, %iota3A, %ge3A_43 : vector<832x832xi32>
    %get3A_45 = arith.constant 0 : index
    %get3A_46 = arith.constant 0 : index
    %get3A_47 = vector.load %arg8[%get3A_45, %get3A_46] : memref<832x2304xf32, #tpu.memory_space<vmem>>, vector<832x64xf32>
    %get3A_48 = arith.constant 0 : index
    %get3A_49 = arith.constant 768 : index
    %get3A_50 = vector.load %arg8[%get3A_48, %get3A_49] : memref<832x2304xf32, #tpu.memory_space<vmem>>, vector<832x64xf32>
    %get3A_51 = arith.constant 0 : index
    %get3A_52 = arith.constant 1536 : index
    %get3A_53 = vector.load %arg8[%get3A_51, %get3A_52] : memref<832x2304xf32, #tpu.memory_space<vmem>>, vector<832x64xf32>
    %convert_element_type3A_54 = arith.truncf %get3A_47 : vector<832x64xf32> to vector<832x64xbf16>
    %convert_element_type3A_55 = arith.truncf %get3A_50 : vector<832x64xf32> to vector<832x64xbf16>
    %dot_general3A_56 = arith.constant dense<0.000000e+00> : vector<832x832xf32>
    %dot_general3A_57 = tpu.matmul %convert_element_type3A_54, %convert_element_type3A_55, %dot_general3A_56 {dimension_numbers = #tpu.dot_dimension_numbers<[1], [1], [0], [0], [0, 0, 1, 0], [], []>, transpose_lhs_hint = false} : vector<832x64xbf16>, vector<832x64xbf16>, vector<832x832xf32> -> vector<832x832xf32>
    %mul3A_58 = arith.constant 1.250000e-01 : f32
    %mul3A_59 = vector.broadcast %mul3A_58 : f32 to vector<832x832xf32>
    %mul3A_60 = arith.mulf %dot_general3A_57, %mul3A_59 : vector<832x832xf32>
    %jit3A = arith.constant -1.000000e+30 : f32
    %broadcast_in_dim3A_61 = vector.broadcast %jit3A : f32 to vector<832x832xf32>
    %select_n3A = arith.select %ge3A_44, %broadcast_in_dim3A_61, %mul3A_60 : vector<832x832xi1>, vector<832x832xf32>
    %reduce_max3A = arith.constant dense<0xFF800000> : vector<832xf32>
    %reduce_max3A_62 = vector.multi_reduction <maximumf>, %select_n3A, %reduce_max3A [1] : vector<832x832xf32> to vector<832xf32>
    %broadcast_in_dim3A_63 = vector.shape_cast %reduce_max3A_62 : vector<832xf32> to vector<832x1xf32>
    %sub3A_64 = vector.broadcast %broadcast_in_dim3A_63 : vector<832x1xf32> to vector<832x832xf32>
    %sub3A_65 = arith.subf %select_n3A, %sub3A_64 : vector<832x832xf32>
    %exp3A = math.exp %sub3A_65 : vector<832x832xf32>
    %reduce_sum3A_66 = arith.constant dense<0.000000e+00> : vector<832xf32>
    %reduce_sum3A_67 = vector.multi_reduction <add>, %exp3A, %reduce_sum3A_66 [1] : vector<832x832xf32> to vector<832xf32>
    %broadcast_in_dim3A_68 = vector.shape_cast %reduce_sum3A_67 : vector<832xf32> to vector<832x1xf32>
    %div3A_69 = arith.constant 1.000000e+00 : f32
    %div3A_70 = vector.broadcast %div3A_69 : f32 to vector<832x1xf32>
    %div3A_71 = arith.divf %div3A_70, %broadcast_in_dim3A_68 : vector<832x1xf32>
    %mul3A_72 = vector.broadcast %div3A_71 : vector<832x1xf32> to vector<832x832xf32>
    %mul3A_73 = arith.mulf %exp3A, %mul3A_72 : vector<832x832xf32>
    %convert_element_type3A_74 = arith.truncf %mul3A_73 : vector<832x832xf32> to vector<832x832xbf16>
    %convert_element_type3A_75 = arith.truncf %get3A_53 : vector<832x64xf32> to vector<832x64xbf16>
    %dot_general3A_76 = arith.constant dense<0.000000e+00> : vector<832x64xf32>
    %dot_general3A_77 = tpu.matmul %convert_element_type3A_74, %convert_element_type3A_75, %dot_general3A_76 {dimension_numbers = #tpu.dot_dimension_numbers<[1], [0], [0], [1], [0, 0, 1, 1], [], []>, transpose_lhs_hint = false} : vector<832x832xbf16>, vector<832x64xbf16>, vector<832x64xf32> -> vector<832x64xf32>
    %get3A_78 = arith.constant 0 : index
    %get3A_79 = arith.constant 64 : index
    %get3A_80 = vector.load %arg8[%get3A_78, %get3A_79] : memref<832x2304xf32, #tpu.memory_space<vmem>>, vector<832x64xf32>
    %get3A_81 = arith.constant 0 : index
    %get3A_82 = arith.constant 832 : index
    %get3A_83 = vector.load %arg8[%get3A_81, %get3A_82] : memref<832x2304xf32, #tpu.memory_space<vmem>>, vector<832x64xf32>
    %get3A_84 = arith.constant 0 : index
    %get3A_85 = arith.constant 1600 : index
    %get3A_86 = vector.load %arg8[%get3A_84, %get3A_85] : memref<832x2304xf32, #tpu.memory_space<vmem>>, vector<832x64xf32>
    %convert_element_type3A_87 = arith.truncf %get3A_80 : vector<832x64xf32> to vector<832x64xbf16>
    %convert_element_type3A_88 = arith.truncf %get3A_83 : vector<832x64xf32> to vector<832x64xbf16>
    %dot_general3A_89 = arith.constant dense<0.000000e+00> : vector<832x832xf32>
    %dot_general3A_90 = tpu.matmul %convert_element_type3A_87, %convert_element_type3A_88, %dot_general3A_89 {dimension_numbers = #tpu.dot_dimension_numbers<[1], [1], [0], [0], [0, 0, 1, 0], [], []>, transpose_lhs_hint = false} : vector<832x64xbf16>, vector<832x64xbf16>, vector<832x832xf32> -> vector<832x832xf32>
    %mul3A_91 = arith.constant 1.250000e-01 : f32
    %mul3A_92 = vector.broadcast %mul3A_91 : f32 to vector<832x832xf32>
    %mul3A_93 = arith.mulf %dot_general3A_90, %mul3A_92 : vector<832x832xf32>
    %jit3A_94 = arith.constant -1.000000e+30 : f32
    %broadcast_in_dim3A_95 = vector.broadcast %jit3A_94 : f32 to vector<832x832xf32>
    %select_n3A_96 = arith.select %ge3A_44, %broadcast_in_dim3A_95, %mul3A_93 : vector<832x832xi1>, vector<832x832xf32>
    %reduce_max3A_97 = arith.constant dense<0xFF800000> : vector<832xf32>
    %reduce_max3A_98 = vector.multi_reduction <maximumf>, %select_n3A_96, %reduce_max3A_97 [1] : vector<832x832xf32> to vector<832xf32>
    %broadcast_in_dim3A_99 = vector.shape_cast %reduce_max3A_98 : vector<832xf32> to vector<832x1xf32>
    %sub3A_100 = vector.broadcast %broadcast_in_dim3A_99 : vector<832x1xf32> to vector<832x832xf32>
    %sub3A_101 = arith.subf %select_n3A_96, %sub3A_100 : vector<832x832xf32>
    %exp3A_102 = math.exp %sub3A_101 : vector<832x832xf32>
    %reduce_sum3A_103 = arith.constant dense<0.000000e+00> : vector<832xf32>
    %reduce_sum3A_104 = vector.multi_reduction <add>, %exp3A_102, %reduce_sum3A_103 [1] : vector<832x832xf32> to vector<832xf32>
    %broadcast_in_dim3A_105 = vector.shape_cast %reduce_sum3A_104 : vector<832xf32> to vector<832x1xf32>
    %div3A_106 = arith.constant 1.000000e+00 : f32
    %div3A_107 = vector.broadcast %div3A_106 : f32 to vector<832x1xf32>
    %div3A_108 = arith.divf %div3A_107, %broadcast_in_dim3A_105 : vector<832x1xf32>
    %mul3A_109 = vector.broadcast %div3A_108 : vector<832x1xf32> to vector<832x832xf32>
    %mul3A_110 = arith.mulf %exp3A_102, %mul3A_109 : vector<832x832xf32>
    %convert_element_type3A_111 = arith.truncf %mul3A_110 : vector<832x832xf32> to vector<832x832xbf16>
    %convert_element_type3A_112 = arith.truncf %get3A_86 : vector<832x64xf32> to vector<832x64xbf16>
    %dot_general3A_113 = arith.constant dense<0.000000e+00> : vector<832x64xf32>
    %dot_general3A_114 = tpu.matmul %convert_element_type3A_111, %convert_element_type3A_112, %dot_general3A_113 {dimension_numbers = #tpu.dot_dimension_numbers<[1], [0], [0], [1], [0, 0, 1, 1], [], []>, transpose_lhs_hint = false} : vector<832x832xbf16>, vector<832x64xbf16>, vector<832x64xf32> -> vector<832x64xf32>
    %get3A_115 = arith.constant 0 : index
    %get3A_116 = arith.constant 128 : index
    %get3A_117 = vector.load %arg8[%get3A_115, %get3A_116] : memref<832x2304xf32, #tpu.memory_space<vmem>>, vector<832x64xf32>
    %get3A_118 = arith.constant 0 : index
    %get3A_119 = arith.constant 896 : index
    %get3A_120 = vector.load %arg8[%get3A_118, %get3A_119] : memref<832x2304xf32, #tpu.memory_space<vmem>>, vector<832x64xf32>
    %get3A_121 = arith.constant 0 : index
    %get3A_122 = arith.constant 1664 : index
    %get3A_123 = vector.load %arg8[%get3A_121, %get3A_122] : memref<832x2304xf32, #tpu.memory_space<vmem>>, vector<832x64xf32>
    %convert_element_type3A_124 = arith.truncf %get3A_117 : vector<832x64xf32> to vector<832x64xbf16>
    %convert_element_type3A_125 = arith.truncf %get3A_120 : vector<832x64xf32> to vector<832x64xbf16>
    %dot_general3A_126 = arith.constant dense<0.000000e+00> : vector<832x832xf32>
    %dot_general3A_127 = tpu.matmul %convert_element_type3A_124, %convert_element_type3A_125, %dot_general3A_126 {dimension_numbers = #tpu.dot_dimension_numbers<[1], [1], [0], [0], [0, 0, 1, 0], [], []>, transpose_lhs_hint = false} : vector<832x64xbf16>, vector<832x64xbf16>, vector<832x832xf32> -> vector<832x832xf32>
    %mul3A_128 = arith.constant 1.250000e-01 : f32
    %mul3A_129 = vector.broadcast %mul3A_128 : f32 to vector<832x832xf32>
    %mul3A_130 = arith.mulf %dot_general3A_127, %mul3A_129 : vector<832x832xf32>
    %jit3A_131 = arith.constant -1.000000e+30 : f32
    %broadcast_in_dim3A_132 = vector.broadcast %jit3A_131 : f32 to vector<832x832xf32>
    %select_n3A_133 = arith.select %ge3A_44, %broadcast_in_dim3A_132, %mul3A_130 : vector<832x832xi1>, vector<832x832xf32>
    %reduce_max3A_134 = arith.constant dense<0xFF800000> : vector<832xf32>
    %reduce_max3A_135 = vector.multi_reduction <maximumf>, %select_n3A_133, %reduce_max3A_134 [1] : vector<832x832xf32> to vector<832xf32>
    %broadcast_in_dim3A_136 = vector.shape_cast %reduce_max3A_135 : vector<832xf32> to vector<832x1xf32>
    %sub3A_137 = vector.broadcast %broadcast_in_dim3A_136 : vector<832x1xf32> to vector<832x832xf32>
    %sub3A_138 = arith.subf %select_n3A_133, %sub3A_137 : vector<832x832xf32>
    %exp3A_139 = math.exp %sub3A_138 : vector<832x832xf32>
    %reduce_sum3A_140 = arith.constant dense<0.000000e+00> : vector<832xf32>
    %reduce_sum3A_141 = vector.multi_reduction <add>, %exp3A_139, %reduce_sum3A_140 [1] : vector<832x832xf32> to vector<832xf32>
    %broadcast_in_dim3A_142 = vector.shape_cast %reduce_sum3A_141 : vector<832xf32> to vector<832x1xf32>
    %div3A_143 = arith.constant 1.000000e+00 : f32
    %div3A_144 = vector.broadcast %div3A_143 : f32 to vector<832x1xf32>
    %div3A_145 = arith.divf %div3A_144, %broadcast_in_dim3A_142 : vector<832x1xf32>
    %mul3A_146 = vector.broadcast %div3A_145 : vector<832x1xf32> to vector<832x832xf32>
    %mul3A_147 = arith.mulf %exp3A_139, %mul3A_146 : vector<832x832xf32>
    %convert_element_type3A_148 = arith.truncf %mul3A_147 : vector<832x832xf32> to vector<832x832xbf16>
    %convert_element_type3A_149 = arith.truncf %get3A_123 : vector<832x64xf32> to vector<832x64xbf16>
    %dot_general3A_150 = arith.constant dense<0.000000e+00> : vector<832x64xf32>
    %dot_general3A_151 = tpu.matmul %convert_element_type3A_148, %convert_element_type3A_149, %dot_general3A_150 {dimension_numbers = #tpu.dot_dimension_numbers<[1], [0], [0], [1], [0, 0, 1, 1], [], []>, transpose_lhs_hint = false} : vector<832x832xbf16>, vector<832x64xbf16>, vector<832x64xf32> -> vector<832x64xf32>
    %get3A_152 = arith.constant 0 : index
    %get3A_153 = arith.constant 192 : index
    %get3A_154 = vector.load %arg8[%get3A_152, %get3A_153] : memref<832x2304xf32, #tpu.memory_space<vmem>>, vector<832x64xf32>
    %get3A_155 = arith.constant 0 : index
    %get3A_156 = arith.constant 960 : index
    %get3A_157 = vector.load %arg8[%get3A_155, %get3A_156] : memref<832x2304xf32, #tpu.memory_space<vmem>>, vector<832x64xf32>
    %get3A_158 = arith.constant 0 : index
    %get3A_159 = arith.constant 1728 : index
    %get3A_160 = vector.load %arg8[%get3A_158, %get3A_159] : memref<832x2304xf32, #tpu.memory_space<vmem>>, vector<832x64xf32>
    %convert_element_type3A_161 = arith.truncf %get3A_154 : vector<832x64xf32> to vector<832x64xbf16>
    %convert_element_type3A_162 = arith.truncf %get3A_157 : vector<832x64xf32> to vector<832x64xbf16>
    %dot_general3A_163 = arith.constant dense<0.000000e+00> : vector<832x832xf32>
    %dot_general3A_164 = tpu.matmul %convert_element_type3A_161, %convert_element_type3A_162, %dot_general3A_163 {dimension_numbers = #tpu.dot_dimension_numbers<[1], [1], [0], [0], [0, 0, 1, 0], [], []>, transpose_lhs_hint = false} : vector<832x64xbf16>, vector<832x64xbf16>, vector<832x832xf32> -> vector<832x832xf32>
    %mul3A_165 = arith.constant 1.250000e-01 : f32
    %mul3A_166 = vector.broadcast %mul3A_165 : f32 to vector<832x832xf32>
    %mul3A_167 = arith.mulf %dot_general3A_164, %mul3A_166 : vector<832x832xf32>
    %jit3A_168 = arith.constant -1.000000e+30 : f32
    %broadcast_in_dim3A_169 = vector.broadcast %jit3A_168 : f32 to vector<832x832xf32>
    %select_n3A_170 = arith.select %ge3A_44, %broadcast_in_dim3A_169, %mul3A_167 : vector<832x832xi1>, vector<832x832xf32>
    %reduce_max3A_171 = arith.constant dense<0xFF800000> : vector<832xf32>
    %reduce_max3A_172 = vector.multi_reduction <maximumf>, %select_n3A_170, %reduce_max3A_171 [1] : vector<832x832xf32> to vector<832xf32>
    %broadcast_in_dim3A_173 = vector.shape_cast %reduce_max3A_172 : vector<832xf32> to vector<832x1xf32>
    %sub3A_174 = vector.broadcast %broadcast_in_dim3A_173 : vector<832x1xf32> to vector<832x832xf32>
    %sub3A_175 = arith.subf %select_n3A_170, %sub3A_174 : vector<832x832xf32>
    %exp3A_176 = math.exp %sub3A_175 : vector<832x832xf32>
    %reduce_sum3A_177 = arith.constant dense<0.000000e+00> : vector<832xf32>
    %reduce_sum3A_178 = vector.multi_reduction <add>, %exp3A_176, %reduce_sum3A_177 [1] : vector<832x832xf32> to vector<832xf32>
    %broadcast_in_dim3A_179 = vector.shape_cast %reduce_sum3A_178 : vector<832xf32> to vector<832x1xf32>
    %div3A_180 = arith.constant 1.000000e+00 : f32
    %div3A_181 = vector.broadcast %div3A_180 : f32 to vector<832x1xf32>
    %div3A_182 = arith.divf %div3A_181, %broadcast_in_dim3A_179 : vector<832x1xf32>
    %mul3A_183 = vector.broadcast %div3A_182 : vector<832x1xf32> to vector<832x832xf32>
    %mul3A_184 = arith.mulf %exp3A_176, %mul3A_183 : vector<832x832xf32>
    %convert_element_type3A_185 = arith.truncf %mul3A_184 : vector<832x832xf32> to vector<832x832xbf16>
    %convert_element_type3A_186 = arith.truncf %get3A_160 : vector<832x64xf32> to vector<832x64xbf16>
    %dot_general3A_187 = arith.constant dense<0.000000e+00> : vector<832x64xf32>
    %dot_general3A_188 = tpu.matmul %convert_element_type3A_185, %convert_element_type3A_186, %dot_general3A_187 {dimension_numbers = #tpu.dot_dimension_numbers<[1], [0], [0], [1], [0, 0, 1, 1], [], []>, transpose_lhs_hint = false} : vector<832x832xbf16>, vector<832x64xbf16>, vector<832x64xf32> -> vector<832x64xf32>
    %get3A_189 = arith.constant 0 : index
    %get3A_190 = arith.constant 256 : index
    %get3A_191 = vector.load %arg8[%get3A_189, %get3A_190] : memref<832x2304xf32, #tpu.memory_space<vmem>>, vector<832x64xf32>
    %get3A_192 = arith.constant 0 : index
    %get3A_193 = arith.constant 1024 : index
    %get3A_194 = vector.load %arg8[%get3A_192, %get3A_193] : memref<832x2304xf32, #tpu.memory_space<vmem>>, vector<832x64xf32>
    %get3A_195 = arith.constant 0 : index
    %get3A_196 = arith.constant 1792 : index
    %get3A_197 = vector.load %arg8[%get3A_195, %get3A_196] : memref<832x2304xf32, #tpu.memory_space<vmem>>, vector<832x64xf32>
    %convert_element_type3A_198 = arith.truncf %get3A_191 : vector<832x64xf32> to vector<832x64xbf16>
    %convert_element_type3A_199 = arith.truncf %get3A_194 : vector<832x64xf32> to vector<832x64xbf16>
    %dot_general3A_200 = arith.constant dense<0.000000e+00> : vector<832x832xf32>
    %dot_general3A_201 = tpu.matmul %convert_element_type3A_198, %convert_element_type3A_199, %dot_general3A_200 {dimension_numbers = #tpu.dot_dimension_numbers<[1], [1], [0], [0], [0, 0, 1, 0], [], []>, transpose_lhs_hint = false} : vector<832x64xbf16>, vector<832x64xbf16>, vector<832x832xf32> -> vector<832x832xf32>
    %mul3A_202 = arith.constant 1.250000e-01 : f32
    %mul3A_203 = vector.broadcast %mul3A_202 : f32 to vector<832x832xf32>
    %mul3A_204 = arith.mulf %dot_general3A_201, %mul3A_203 : vector<832x832xf32>
    %jit3A_205 = arith.constant -1.000000e+30 : f32
    %broadcast_in_dim3A_206 = vector.broadcast %jit3A_205 : f32 to vector<832x832xf32>
    %select_n3A_207 = arith.select %ge3A_44, %broadcast_in_dim3A_206, %mul3A_204 : vector<832x832xi1>, vector<832x832xf32>
    %reduce_max3A_208 = arith.constant dense<0xFF800000> : vector<832xf32>
    %reduce_max3A_209 = vector.multi_reduction <maximumf>, %select_n3A_207, %reduce_max3A_208 [1] : vector<832x832xf32> to vector<832xf32>
    %broadcast_in_dim3A_210 = vector.shape_cast %reduce_max3A_209 : vector<832xf32> to vector<832x1xf32>
    %sub3A_211 = vector.broadcast %broadcast_in_dim3A_210 : vector<832x1xf32> to vector<832x832xf32>
    %sub3A_212 = arith.subf %select_n3A_207, %sub3A_211 : vector<832x832xf32>
    %exp3A_213 = math.exp %sub3A_212 : vector<832x832xf32>
    %reduce_sum3A_214 = arith.constant dense<0.000000e+00> : vector<832xf32>
    %reduce_sum3A_215 = vector.multi_reduction <add>, %exp3A_213, %reduce_sum3A_214 [1] : vector<832x832xf32> to vector<832xf32>
    %broadcast_in_dim3A_216 = vector.shape_cast %reduce_sum3A_215 : vector<832xf32> to vector<832x1xf32>
    %div3A_217 = arith.constant 1.000000e+00 : f32
    %div3A_218 = vector.broadcast %div3A_217 : f32 to vector<832x1xf32>
    %div3A_219 = arith.divf %div3A_218, %broadcast_in_dim3A_216 : vector<832x1xf32>
    %mul3A_220 = vector.broadcast %div3A_219 : vector<832x1xf32> to vector<832x832xf32>
    %mul3A_221 = arith.mulf %exp3A_213, %mul3A_220 : vector<832x832xf32>
    %convert_element_type3A_222 = arith.truncf %mul3A_221 : vector<832x832xf32> to vector<832x832xbf16>
    %convert_element_type3A_223 = arith.truncf %get3A_197 : vector<832x64xf32> to vector<832x64xbf16>
    %dot_general3A_224 = arith.constant dense<0.000000e+00> : vector<832x64xf32>
    %dot_general3A_225 = tpu.matmul %convert_element_type3A_222, %convert_element_type3A_223, %dot_general3A_224 {dimension_numbers = #tpu.dot_dimension_numbers<[1], [0], [0], [1], [0, 0, 1, 1], [], []>, transpose_lhs_hint = false} : vector<832x832xbf16>, vector<832x64xbf16>, vector<832x64xf32> -> vector<832x64xf32>
    %get3A_226 = arith.constant 0 : index
    %get3A_227 = arith.constant 320 : index
    %get3A_228 = vector.load %arg8[%get3A_226, %get3A_227] : memref<832x2304xf32, #tpu.memory_space<vmem>>, vector<832x64xf32>
    %get3A_229 = arith.constant 0 : index
    %get3A_230 = arith.constant 1088 : index
    %get3A_231 = vector.load %arg8[%get3A_229, %get3A_230] : memref<832x2304xf32, #tpu.memory_space<vmem>>, vector<832x64xf32>
    %get3A_232 = arith.constant 0 : index
    %get3A_233 = arith.constant 1856 : index
    %get3A_234 = vector.load %arg8[%get3A_232, %get3A_233] : memref<832x2304xf32, #tpu.memory_space<vmem>>, vector<832x64xf32>
    %convert_element_type3A_235 = arith.truncf %get3A_228 : vector<832x64xf32> to vector<832x64xbf16>
    %convert_element_type3A_236 = arith.truncf %get3A_231 : vector<832x64xf32> to vector<832x64xbf16>
    %dot_general3A_237 = arith.constant dense<0.000000e+00> : vector<832x832xf32>
    %dot_general3A_238 = tpu.matmul %convert_element_type3A_235, %convert_element_type3A_236, %dot_general3A_237 {dimension_numbers = #tpu.dot_dimension_numbers<[1], [1], [0], [0], [0, 0, 1, 0], [], []>, transpose_lhs_hint = false} : vector<832x64xbf16>, vector<832x64xbf16>, vector<832x832xf32> -> vector<832x832xf32>
    %mul3A_239 = arith.constant 1.250000e-01 : f32
    %mul3A_240 = vector.broadcast %mul3A_239 : f32 to vector<832x832xf32>
    %mul3A_241 = arith.mulf %dot_general3A_238, %mul3A_240 : vector<832x832xf32>
    %jit3A_242 = arith.constant -1.000000e+30 : f32
    %broadcast_in_dim3A_243 = vector.broadcast %jit3A_242 : f32 to vector<832x832xf32>
    %select_n3A_244 = arith.select %ge3A_44, %broadcast_in_dim3A_243, %mul3A_241 : vector<832x832xi1>, vector<832x832xf32>
    %reduce_max3A_245 = arith.constant dense<0xFF800000> : vector<832xf32>
    %reduce_max3A_246 = vector.multi_reduction <maximumf>, %select_n3A_244, %reduce_max3A_245 [1] : vector<832x832xf32> to vector<832xf32>
    %broadcast_in_dim3A_247 = vector.shape_cast %reduce_max3A_246 : vector<832xf32> to vector<832x1xf32>
    %sub3A_248 = vector.broadcast %broadcast_in_dim3A_247 : vector<832x1xf32> to vector<832x832xf32>
    %sub3A_249 = arith.subf %select_n3A_244, %sub3A_248 : vector<832x832xf32>
    %exp3A_250 = math.exp %sub3A_249 : vector<832x832xf32>
    %reduce_sum3A_251 = arith.constant dense<0.000000e+00> : vector<832xf32>
    %reduce_sum3A_252 = vector.multi_reduction <add>, %exp3A_250, %reduce_sum3A_251 [1] : vector<832x832xf32> to vector<832xf32>
    %broadcast_in_dim3A_253 = vector.shape_cast %reduce_sum3A_252 : vector<832xf32> to vector<832x1xf32>
    %div3A_254 = arith.constant 1.000000e+00 : f32
    %div3A_255 = vector.broadcast %div3A_254 : f32 to vector<832x1xf32>
    %div3A_256 = arith.divf %div3A_255, %broadcast_in_dim3A_253 : vector<832x1xf32>
    %mul3A_257 = vector.broadcast %div3A_256 : vector<832x1xf32> to vector<832x832xf32>
    %mul3A_258 = arith.mulf %exp3A_250, %mul3A_257 : vector<832x832xf32>
    %convert_element_type3A_259 = arith.truncf %mul3A_258 : vector<832x832xf32> to vector<832x832xbf16>
    %convert_element_type3A_260 = arith.truncf %get3A_234 : vector<832x64xf32> to vector<832x64xbf16>
    %dot_general3A_261 = arith.constant dense<0.000000e+00> : vector<832x64xf32>
    %dot_general3A_262 = tpu.matmul %convert_element_type3A_259, %convert_element_type3A_260, %dot_general3A_261 {dimension_numbers = #tpu.dot_dimension_numbers<[1], [0], [0], [1], [0, 0, 1, 1], [], []>, transpose_lhs_hint = false} : vector<832x832xbf16>, vector<832x64xbf16>, vector<832x64xf32> -> vector<832x64xf32>
    %get3A_263 = arith.constant 0 : index
    %get3A_264 = arith.constant 384 : index
    %get3A_265 = vector.load %arg8[%get3A_263, %get3A_264] : memref<832x2304xf32, #tpu.memory_space<vmem>>, vector<832x64xf32>
    %get3A_266 = arith.constant 0 : index
    %get3A_267 = arith.constant 1152 : index
    %get3A_268 = vector.load %arg8[%get3A_266, %get3A_267] : memref<832x2304xf32, #tpu.memory_space<vmem>>, vector<832x64xf32>
    %get3A_269 = arith.constant 0 : index
    %get3A_270 = arith.constant 1920 : index
    %get3A_271 = vector.load %arg8[%get3A_269, %get3A_270] : memref<832x2304xf32, #tpu.memory_space<vmem>>, vector<832x64xf32>
    %convert_element_type3A_272 = arith.truncf %get3A_265 : vector<832x64xf32> to vector<832x64xbf16>
    %convert_element_type3A_273 = arith.truncf %get3A_268 : vector<832x64xf32> to vector<832x64xbf16>
    %dot_general3A_274 = arith.constant dense<0.000000e+00> : vector<832x832xf32>
    %dot_general3A_275 = tpu.matmul %convert_element_type3A_272, %convert_element_type3A_273, %dot_general3A_274 {dimension_numbers = #tpu.dot_dimension_numbers<[1], [1], [0], [0], [0, 0, 1, 0], [], []>, transpose_lhs_hint = false} : vector<832x64xbf16>, vector<832x64xbf16>, vector<832x832xf32> -> vector<832x832xf32>
    %mul3A_276 = arith.constant 1.250000e-01 : f32
    %mul3A_277 = vector.broadcast %mul3A_276 : f32 to vector<832x832xf32>
    %mul3A_278 = arith.mulf %dot_general3A_275, %mul3A_277 : vector<832x832xf32>
    %jit3A_279 = arith.constant -1.000000e+30 : f32
    %broadcast_in_dim3A_280 = vector.broadcast %jit3A_279 : f32 to vector<832x832xf32>
    %select_n3A_281 = arith.select %ge3A_44, %broadcast_in_dim3A_280, %mul3A_278 : vector<832x832xi1>, vector<832x832xf32>
    %reduce_max3A_282 = arith.constant dense<0xFF800000> : vector<832xf32>
    %reduce_max3A_283 = vector.multi_reduction <maximumf>, %select_n3A_281, %reduce_max3A_282 [1] : vector<832x832xf32> to vector<832xf32>
    %broadcast_in_dim3A_284 = vector.shape_cast %reduce_max3A_283 : vector<832xf32> to vector<832x1xf32>
    %sub3A_285 = vector.broadcast %broadcast_in_dim3A_284 : vector<832x1xf32> to vector<832x832xf32>
    %sub3A_286 = arith.subf %select_n3A_281, %sub3A_285 : vector<832x832xf32>
    %exp3A_287 = math.exp %sub3A_286 : vector<832x832xf32>
    %reduce_sum3A_288 = arith.constant dense<0.000000e+00> : vector<832xf32>
    %reduce_sum3A_289 = vector.multi_reduction <add>, %exp3A_287, %reduce_sum3A_288 [1] : vector<832x832xf32> to vector<832xf32>
    %broadcast_in_dim3A_290 = vector.shape_cast %reduce_sum3A_289 : vector<832xf32> to vector<832x1xf32>
    %div3A_291 = arith.constant 1.000000e+00 : f32
    %div3A_292 = vector.broadcast %div3A_291 : f32 to vector<832x1xf32>
    %div3A_293 = arith.divf %div3A_292, %broadcast_in_dim3A_290 : vector<832x1xf32>
    %mul3A_294 = vector.broadcast %div3A_293 : vector<832x1xf32> to vector<832x832xf32>
    %mul3A_295 = arith.mulf %exp3A_287, %mul3A_294 : vector<832x832xf32>
    %convert_element_type3A_296 = arith.truncf %mul3A_295 : vector<832x832xf32> to vector<832x832xbf16>
    %convert_element_type3A_297 = arith.truncf %get3A_271 : vector<832x64xf32> to vector<832x64xbf16>
    %dot_general3A_298 = arith.constant dense<0.000000e+00> : vector<832x64xf32>
    %dot_general3A_299 = tpu.matmul %convert_element_type3A_296, %convert_element_type3A_297, %dot_general3A_298 {dimension_numbers = #tpu.dot_dimension_numbers<[1], [0], [0], [1], [0, 0, 1, 1], [], []>, transpose_lhs_hint = false} : vector<832x832xbf16>, vector<832x64xbf16>, vector<832x64xf32> -> vector<832x64xf32>
    %get3A_300 = arith.constant 0 : index
    %get3A_301 = arith.constant 448 : index
    %get3A_302 = vector.load %arg8[%get3A_300, %get3A_301] : memref<832x2304xf32, #tpu.memory_space<vmem>>, vector<832x64xf32>
    %get3A_303 = arith.constant 0 : index
    %get3A_304 = arith.constant 1216 : index
    %get3A_305 = vector.load %arg8[%get3A_303, %get3A_304] : memref<832x2304xf32, #tpu.memory_space<vmem>>, vector<832x64xf32>
    %get3A_306 = arith.constant 0 : index
    %get3A_307 = arith.constant 1984 : index
    %get3A_308 = vector.load %arg8[%get3A_306, %get3A_307] : memref<832x2304xf32, #tpu.memory_space<vmem>>, vector<832x64xf32>
    %convert_element_type3A_309 = arith.truncf %get3A_302 : vector<832x64xf32> to vector<832x64xbf16>
    %convert_element_type3A_310 = arith.truncf %get3A_305 : vector<832x64xf32> to vector<832x64xbf16>
    %dot_general3A_311 = arith.constant dense<0.000000e+00> : vector<832x832xf32>
    %dot_general3A_312 = tpu.matmul %convert_element_type3A_309, %convert_element_type3A_310, %dot_general3A_311 {dimension_numbers = #tpu.dot_dimension_numbers<[1], [1], [0], [0], [0, 0, 1, 0], [], []>, transpose_lhs_hint = false} : vector<832x64xbf16>, vector<832x64xbf16>, vector<832x832xf32> -> vector<832x832xf32>
    %mul3A_313 = arith.constant 1.250000e-01 : f32
    %mul3A_314 = vector.broadcast %mul3A_313 : f32 to vector<832x832xf32>
    %mul3A_315 = arith.mulf %dot_general3A_312, %mul3A_314 : vector<832x832xf32>
    %jit3A_316 = arith.constant -1.000000e+30 : f32
    %broadcast_in_dim3A_317 = vector.broadcast %jit3A_316 : f32 to vector<832x832xf32>
    %select_n3A_318 = arith.select %ge3A_44, %broadcast_in_dim3A_317, %mul3A_315 : vector<832x832xi1>, vector<832x832xf32>
    %reduce_max3A_319 = arith.constant dense<0xFF800000> : vector<832xf32>
    %reduce_max3A_320 = vector.multi_reduction <maximumf>, %select_n3A_318, %reduce_max3A_319 [1] : vector<832x832xf32> to vector<832xf32>
    %broadcast_in_dim3A_321 = vector.shape_cast %reduce_max3A_320 : vector<832xf32> to vector<832x1xf32>
    %sub3A_322 = vector.broadcast %broadcast_in_dim3A_321 : vector<832x1xf32> to vector<832x832xf32>
    %sub3A_323 = arith.subf %select_n3A_318, %sub3A_322 : vector<832x832xf32>
    %exp3A_324 = math.exp %sub3A_323 : vector<832x832xf32>
    %reduce_sum3A_325 = arith.constant dense<0.000000e+00> : vector<832xf32>
    %reduce_sum3A_326 = vector.multi_reduction <add>, %exp3A_324, %reduce_sum3A_325 [1] : vector<832x832xf32> to vector<832xf32>
    %broadcast_in_dim3A_327 = vector.shape_cast %reduce_sum3A_326 : vector<832xf32> to vector<832x1xf32>
    %div3A_328 = arith.constant 1.000000e+00 : f32
    %div3A_329 = vector.broadcast %div3A_328 : f32 to vector<832x1xf32>
    %div3A_330 = arith.divf %div3A_329, %broadcast_in_dim3A_327 : vector<832x1xf32>
    %mul3A_331 = vector.broadcast %div3A_330 : vector<832x1xf32> to vector<832x832xf32>
    %mul3A_332 = arith.mulf %exp3A_324, %mul3A_331 : vector<832x832xf32>
    %convert_element_type3A_333 = arith.truncf %mul3A_332 : vector<832x832xf32> to vector<832x832xbf16>
    %convert_element_type3A_334 = arith.truncf %get3A_308 : vector<832x64xf32> to vector<832x64xbf16>
    %dot_general3A_335 = arith.constant dense<0.000000e+00> : vector<832x64xf32>
    %dot_general3A_336 = tpu.matmul %convert_element_type3A_333, %convert_element_type3A_334, %dot_general3A_335 {dimension_numbers = #tpu.dot_dimension_numbers<[1], [0], [0], [1], [0, 0, 1, 1], [], []>, transpose_lhs_hint = false} : vector<832x832xbf16>, vector<832x64xbf16>, vector<832x64xf32> -> vector<832x64xf32>
    %get3A_337 = arith.constant 0 : index
    %get3A_338 = arith.constant 512 : index
    %get3A_339 = vector.load %arg8[%get3A_337, %get3A_338] : memref<832x2304xf32, #tpu.memory_space<vmem>>, vector<832x64xf32>
    %get3A_340 = arith.constant 0 : index
    %get3A_341 = arith.constant 1280 : index
    %get3A_342 = vector.load %arg8[%get3A_340, %get3A_341] : memref<832x2304xf32, #tpu.memory_space<vmem>>, vector<832x64xf32>
    %get3A_343 = arith.constant 0 : index
    %get3A_344 = arith.constant 2048 : index
    %get3A_345 = vector.load %arg8[%get3A_343, %get3A_344] : memref<832x2304xf32, #tpu.memory_space<vmem>>, vector<832x64xf32>
    %convert_element_type3A_346 = arith.truncf %get3A_339 : vector<832x64xf32> to vector<832x64xbf16>
    %convert_element_type3A_347 = arith.truncf %get3A_342 : vector<832x64xf32> to vector<832x64xbf16>
    %dot_general3A_348 = arith.constant dense<0.000000e+00> : vector<832x832xf32>
    %dot_general3A_349 = tpu.matmul %convert_element_type3A_346, %convert_element_type3A_347, %dot_general3A_348 {dimension_numbers = #tpu.dot_dimension_numbers<[1], [1], [0], [0], [0, 0, 1, 0], [], []>, transpose_lhs_hint = false} : vector<832x64xbf16>, vector<832x64xbf16>, vector<832x832xf32> -> vector<832x832xf32>
    %mul3A_350 = arith.constant 1.250000e-01 : f32
    %mul3A_351 = vector.broadcast %mul3A_350 : f32 to vector<832x832xf32>
    %mul3A_352 = arith.mulf %dot_general3A_349, %mul3A_351 : vector<832x832xf32>
    %jit3A_353 = arith.constant -1.000000e+30 : f32
    %broadcast_in_dim3A_354 = vector.broadcast %jit3A_353 : f32 to vector<832x832xf32>
    %select_n3A_355 = arith.select %ge3A_44, %broadcast_in_dim3A_354, %mul3A_352 : vector<832x832xi1>, vector<832x832xf32>
    %reduce_max3A_356 = arith.constant dense<0xFF800000> : vector<832xf32>
    %reduce_max3A_357 = vector.multi_reduction <maximumf>, %select_n3A_355, %reduce_max3A_356 [1] : vector<832x832xf32> to vector<832xf32>
    %broadcast_in_dim3A_358 = vector.shape_cast %reduce_max3A_357 : vector<832xf32> to vector<832x1xf32>
    %sub3A_359 = vector.broadcast %broadcast_in_dim3A_358 : vector<832x1xf32> to vector<832x832xf32>
    %sub3A_360 = arith.subf %select_n3A_355, %sub3A_359 : vector<832x832xf32>
    %exp3A_361 = math.exp %sub3A_360 : vector<832x832xf32>
    %reduce_sum3A_362 = arith.constant dense<0.000000e+00> : vector<832xf32>
    %reduce_sum3A_363 = vector.multi_reduction <add>, %exp3A_361, %reduce_sum3A_362 [1] : vector<832x832xf32> to vector<832xf32>
    %broadcast_in_dim3A_364 = vector.shape_cast %reduce_sum3A_363 : vector<832xf32> to vector<832x1xf32>
    %div3A_365 = arith.constant 1.000000e+00 : f32
    %div3A_366 = vector.broadcast %div3A_365 : f32 to vector<832x1xf32>
    %div3A_367 = arith.divf %div3A_366, %broadcast_in_dim3A_364 : vector<832x1xf32>
    %mul3A_368 = vector.broadcast %div3A_367 : vector<832x1xf32> to vector<832x832xf32>
    %mul3A_369 = arith.mulf %exp3A_361, %mul3A_368 : vector<832x832xf32>
    %convert_element_type3A_370 = arith.truncf %mul3A_369 : vector<832x832xf32> to vector<832x832xbf16>
    %convert_element_type3A_371 = arith.truncf %get3A_345 : vector<832x64xf32> to vector<832x64xbf16>
    %dot_general3A_372 = arith.constant dense<0.000000e+00> : vector<832x64xf32>
    %dot_general3A_373 = tpu.matmul %convert_element_type3A_370, %convert_element_type3A_371, %dot_general3A_372 {dimension_numbers = #tpu.dot_dimension_numbers<[1], [0], [0], [1], [0, 0, 1, 1], [], []>, transpose_lhs_hint = false} : vector<832x832xbf16>, vector<832x64xbf16>, vector<832x64xf32> -> vector<832x64xf32>
    %get3A_374 = arith.constant 0 : index
    %get3A_375 = arith.constant 576 : index
    %get3A_376 = vector.load %arg8[%get3A_374, %get3A_375] : memref<832x2304xf32, #tpu.memory_space<vmem>>, vector<832x64xf32>
    %get3A_377 = arith.constant 0 : index
    %get3A_378 = arith.constant 1344 : index
    %get3A_379 = vector.load %arg8[%get3A_377, %get3A_378] : memref<832x2304xf32, #tpu.memory_space<vmem>>, vector<832x64xf32>
    %get3A_380 = arith.constant 0 : index
    %get3A_381 = arith.constant 2112 : index
    %get3A_382 = vector.load %arg8[%get3A_380, %get3A_381] : memref<832x2304xf32, #tpu.memory_space<vmem>>, vector<832x64xf32>
    %convert_element_type3A_383 = arith.truncf %get3A_376 : vector<832x64xf32> to vector<832x64xbf16>
    %convert_element_type3A_384 = arith.truncf %get3A_379 : vector<832x64xf32> to vector<832x64xbf16>
    %dot_general3A_385 = arith.constant dense<0.000000e+00> : vector<832x832xf32>
    %dot_general3A_386 = tpu.matmul %convert_element_type3A_383, %convert_element_type3A_384, %dot_general3A_385 {dimension_numbers = #tpu.dot_dimension_numbers<[1], [1], [0], [0], [0, 0, 1, 0], [], []>, transpose_lhs_hint = false} : vector<832x64xbf16>, vector<832x64xbf16>, vector<832x832xf32> -> vector<832x832xf32>
    %mul3A_387 = arith.constant 1.250000e-01 : f32
    %mul3A_388 = vector.broadcast %mul3A_387 : f32 to vector<832x832xf32>
    %mul3A_389 = arith.mulf %dot_general3A_386, %mul3A_388 : vector<832x832xf32>
    %jit3A_390 = arith.constant -1.000000e+30 : f32
    %broadcast_in_dim3A_391 = vector.broadcast %jit3A_390 : f32 to vector<832x832xf32>
    %select_n3A_392 = arith.select %ge3A_44, %broadcast_in_dim3A_391, %mul3A_389 : vector<832x832xi1>, vector<832x832xf32>
    %reduce_max3A_393 = arith.constant dense<0xFF800000> : vector<832xf32>
    %reduce_max3A_394 = vector.multi_reduction <maximumf>, %select_n3A_392, %reduce_max3A_393 [1] : vector<832x832xf32> to vector<832xf32>
    %broadcast_in_dim3A_395 = vector.shape_cast %reduce_max3A_394 : vector<832xf32> to vector<832x1xf32>
    %sub3A_396 = vector.broadcast %broadcast_in_dim3A_395 : vector<832x1xf32> to vector<832x832xf32>
    %sub3A_397 = arith.subf %select_n3A_392, %sub3A_396 : vector<832x832xf32>
    %exp3A_398 = math.exp %sub3A_397 : vector<832x832xf32>
    %reduce_sum3A_399 = arith.constant dense<0.000000e+00> : vector<832xf32>
    %reduce_sum3A_400 = vector.multi_reduction <add>, %exp3A_398, %reduce_sum3A_399 [1] : vector<832x832xf32> to vector<832xf32>
    %broadcast_in_dim3A_401 = vector.shape_cast %reduce_sum3A_400 : vector<832xf32> to vector<832x1xf32>
    %div3A_402 = arith.constant 1.000000e+00 : f32
    %div3A_403 = vector.broadcast %div3A_402 : f32 to vector<832x1xf32>
    %div3A_404 = arith.divf %div3A_403, %broadcast_in_dim3A_401 : vector<832x1xf32>
    %mul3A_405 = vector.broadcast %div3A_404 : vector<832x1xf32> to vector<832x832xf32>
    %mul3A_406 = arith.mulf %exp3A_398, %mul3A_405 : vector<832x832xf32>
    %convert_element_type3A_407 = arith.truncf %mul3A_406 : vector<832x832xf32> to vector<832x832xbf16>
    %convert_element_type3A_408 = arith.truncf %get3A_382 : vector<832x64xf32> to vector<832x64xbf16>
    %dot_general3A_409 = arith.constant dense<0.000000e+00> : vector<832x64xf32>
    %dot_general3A_410 = tpu.matmul %convert_element_type3A_407, %convert_element_type3A_408, %dot_general3A_409 {dimension_numbers = #tpu.dot_dimension_numbers<[1], [0], [0], [1], [0, 0, 1, 1], [], []>, transpose_lhs_hint = false} : vector<832x832xbf16>, vector<832x64xbf16>, vector<832x64xf32> -> vector<832x64xf32>
    %get3A_411 = arith.constant 0 : index
    %get3A_412 = arith.constant 640 : index
    %get3A_413 = vector.load %arg8[%get3A_411, %get3A_412] : memref<832x2304xf32, #tpu.memory_space<vmem>>, vector<832x64xf32>
    %get3A_414 = arith.constant 0 : index
    %get3A_415 = arith.constant 1408 : index
    %get3A_416 = vector.load %arg8[%get3A_414, %get3A_415] : memref<832x2304xf32, #tpu.memory_space<vmem>>, vector<832x64xf32>
    %get3A_417 = arith.constant 0 : index
    %get3A_418 = arith.constant 2176 : index
    %get3A_419 = vector.load %arg8[%get3A_417, %get3A_418] : memref<832x2304xf32, #tpu.memory_space<vmem>>, vector<832x64xf32>
    %convert_element_type3A_420 = arith.truncf %get3A_413 : vector<832x64xf32> to vector<832x64xbf16>
    %convert_element_type3A_421 = arith.truncf %get3A_416 : vector<832x64xf32> to vector<832x64xbf16>
    %dot_general3A_422 = arith.constant dense<0.000000e+00> : vector<832x832xf32>
    %dot_general3A_423 = tpu.matmul %convert_element_type3A_420, %convert_element_type3A_421, %dot_general3A_422 {dimension_numbers = #tpu.dot_dimension_numbers<[1], [1], [0], [0], [0, 0, 1, 0], [], []>, transpose_lhs_hint = false} : vector<832x64xbf16>, vector<832x64xbf16>, vector<832x832xf32> -> vector<832x832xf32>
    %mul3A_424 = arith.constant 1.250000e-01 : f32
    %mul3A_425 = vector.broadcast %mul3A_424 : f32 to vector<832x832xf32>
    %mul3A_426 = arith.mulf %dot_general3A_423, %mul3A_425 : vector<832x832xf32>
    %jit3A_427 = arith.constant -1.000000e+30 : f32
    %broadcast_in_dim3A_428 = vector.broadcast %jit3A_427 : f32 to vector<832x832xf32>
    %select_n3A_429 = arith.select %ge3A_44, %broadcast_in_dim3A_428, %mul3A_426 : vector<832x832xi1>, vector<832x832xf32>
    %reduce_max3A_430 = arith.constant dense<0xFF800000> : vector<832xf32>
    %reduce_max3A_431 = vector.multi_reduction <maximumf>, %select_n3A_429, %reduce_max3A_430 [1] : vector<832x832xf32> to vector<832xf32>
    %broadcast_in_dim3A_432 = vector.shape_cast %reduce_max3A_431 : vector<832xf32> to vector<832x1xf32>
    %sub3A_433 = vector.broadcast %broadcast_in_dim3A_432 : vector<832x1xf32> to vector<832x832xf32>
    %sub3A_434 = arith.subf %select_n3A_429, %sub3A_433 : vector<832x832xf32>
    %exp3A_435 = math.exp %sub3A_434 : vector<832x832xf32>
    %reduce_sum3A_436 = arith.constant dense<0.000000e+00> : vector<832xf32>
    %reduce_sum3A_437 = vector.multi_reduction <add>, %exp3A_435, %reduce_sum3A_436 [1] : vector<832x832xf32> to vector<832xf32>
    %broadcast_in_dim3A_438 = vector.shape_cast %reduce_sum3A_437 : vector<832xf32> to vector<832x1xf32>
    %div3A_439 = arith.constant 1.000000e+00 : f32
    %div3A_440 = vector.broadcast %div3A_439 : f32 to vector<832x1xf32>
    %div3A_441 = arith.divf %div3A_440, %broadcast_in_dim3A_438 : vector<832x1xf32>
    %mul3A_442 = vector.broadcast %div3A_441 : vector<832x1xf32> to vector<832x832xf32>
    %mul3A_443 = arith.mulf %exp3A_435, %mul3A_442 : vector<832x832xf32>
    %convert_element_type3A_444 = arith.truncf %mul3A_443 : vector<832x832xf32> to vector<832x832xbf16>
    %convert_element_type3A_445 = arith.truncf %get3A_419 : vector<832x64xf32> to vector<832x64xbf16>
    %dot_general3A_446 = arith.constant dense<0.000000e+00> : vector<832x64xf32>
    %dot_general3A_447 = tpu.matmul %convert_element_type3A_444, %convert_element_type3A_445, %dot_general3A_446 {dimension_numbers = #tpu.dot_dimension_numbers<[1], [0], [0], [1], [0, 0, 1, 1], [], []>, transpose_lhs_hint = false} : vector<832x832xbf16>, vector<832x64xbf16>, vector<832x64xf32> -> vector<832x64xf32>
    %get3A_448 = arith.constant 0 : index
    %get3A_449 = arith.constant 704 : index
    %get3A_450 = vector.load %arg8[%get3A_448, %get3A_449] : memref<832x2304xf32, #tpu.memory_space<vmem>>, vector<832x64xf32>
    %get3A_451 = arith.constant 0 : index
    %get3A_452 = arith.constant 1472 : index
    %get3A_453 = vector.load %arg8[%get3A_451, %get3A_452] : memref<832x2304xf32, #tpu.memory_space<vmem>>, vector<832x64xf32>
    %get3A_454 = arith.constant 0 : index
    %get3A_455 = arith.constant 2240 : index
    %get3A_456 = vector.load %arg8[%get3A_454, %get3A_455] : memref<832x2304xf32, #tpu.memory_space<vmem>>, vector<832x64xf32>
    %convert_element_type3A_457 = arith.truncf %get3A_450 : vector<832x64xf32> to vector<832x64xbf16>
    %convert_element_type3A_458 = arith.truncf %get3A_453 : vector<832x64xf32> to vector<832x64xbf16>
    %dot_general3A_459 = arith.constant dense<0.000000e+00> : vector<832x832xf32>
    %dot_general3A_460 = tpu.matmul %convert_element_type3A_457, %convert_element_type3A_458, %dot_general3A_459 {dimension_numbers = #tpu.dot_dimension_numbers<[1], [1], [0], [0], [0, 0, 1, 0], [], []>, transpose_lhs_hint = false} : vector<832x64xbf16>, vector<832x64xbf16>, vector<832x832xf32> -> vector<832x832xf32>
    %mul3A_461 = arith.constant 1.250000e-01 : f32
    %mul3A_462 = vector.broadcast %mul3A_461 : f32 to vector<832x832xf32>
    %mul3A_463 = arith.mulf %dot_general3A_460, %mul3A_462 : vector<832x832xf32>
    %jit3A_464 = arith.constant -1.000000e+30 : f32
    %broadcast_in_dim3A_465 = vector.broadcast %jit3A_464 : f32 to vector<832x832xf32>
    %select_n3A_466 = arith.select %ge3A_44, %broadcast_in_dim3A_465, %mul3A_463 : vector<832x832xi1>, vector<832x832xf32>
    %reduce_max3A_467 = arith.constant dense<0xFF800000> : vector<832xf32>
    %reduce_max3A_468 = vector.multi_reduction <maximumf>, %select_n3A_466, %reduce_max3A_467 [1] : vector<832x832xf32> to vector<832xf32>
    %broadcast_in_dim3A_469 = vector.shape_cast %reduce_max3A_468 : vector<832xf32> to vector<832x1xf32>
    %sub3A_470 = vector.broadcast %broadcast_in_dim3A_469 : vector<832x1xf32> to vector<832x832xf32>
    %sub3A_471 = arith.subf %select_n3A_466, %sub3A_470 : vector<832x832xf32>
    %exp3A_472 = math.exp %sub3A_471 : vector<832x832xf32>
    %reduce_sum3A_473 = arith.constant dense<0.000000e+00> : vector<832xf32>
    %reduce_sum3A_474 = vector.multi_reduction <add>, %exp3A_472, %reduce_sum3A_473 [1] : vector<832x832xf32> to vector<832xf32>
    %broadcast_in_dim3A_475 = vector.shape_cast %reduce_sum3A_474 : vector<832xf32> to vector<832x1xf32>
    %div3A_476 = arith.constant 1.000000e+00 : f32
    %div3A_477 = vector.broadcast %div3A_476 : f32 to vector<832x1xf32>
    %div3A_478 = arith.divf %div3A_477, %broadcast_in_dim3A_475 : vector<832x1xf32>
    %mul3A_479 = vector.broadcast %div3A_478 : vector<832x1xf32> to vector<832x832xf32>
    %mul3A_480 = arith.mulf %exp3A_472, %mul3A_479 : vector<832x832xf32>
    %convert_element_type3A_481 = arith.truncf %mul3A_480 : vector<832x832xf32> to vector<832x832xbf16>
    %convert_element_type3A_482 = arith.truncf %get3A_456 : vector<832x64xf32> to vector<832x64xbf16>
    %dot_general3A_483 = arith.constant dense<0.000000e+00> : vector<832x64xf32>
    %dot_general3A_484 = tpu.matmul %convert_element_type3A_481, %convert_element_type3A_482, %dot_general3A_483 {dimension_numbers = #tpu.dot_dimension_numbers<[1], [0], [0], [1], [0, 0, 1, 1], [], []>, transpose_lhs_hint = false} : vector<832x832xbf16>, vector<832x64xbf16>, vector<832x64xf32> -> vector<832x64xf32>
    %concatenate3A = tpu.concatenate %dot_general3A_77, %dot_general3A_114, %dot_general3A_151, %dot_general3A_188, %dot_general3A_225, %dot_general3A_262, %dot_general3A_299, %dot_general3A_336, %dot_general3A_373, %dot_general3A_410, %dot_general3A_447, %dot_general3A_484 in 1 : vector<832x64xf32>, vector<832x64xf32>, vector<832x64xf32>, vector<832x64xf32>, vector<832x64xf32>, vector<832x64xf32>, vector<832x64xf32>, vector<832x64xf32>, vector<832x64xf32>, vector<832x64xf32>, vector<832x64xf32>, vector<832x64xf32> -> vector<832x768xf32>
    %get3A_485 = arith.constant 0 : index
    %get3A_486 = arith.constant 0 : index
    %get3A_487 = vector.load %arg5[%get3A_485, %get3A_486] : memref<768x768xf32, #tpu.memory_space<vmem>>, vector<768x768xf32>
    %convert_element_type3A_488 = arith.truncf %concatenate3A : vector<832x768xf32> to vector<832x768xbf16>
    %convert_element_type3A_489 = arith.truncf %get3A_487 : vector<768x768xf32> to vector<768x768xbf16>
    %dot_general3A_490 = arith.constant dense<0.000000e+00> : vector<832x768xf32>
    %dot_general3A_491 = tpu.matmul %convert_element_type3A_488, %convert_element_type3A_489, %dot_general3A_490 {dimension_numbers = #tpu.dot_dimension_numbers<[1], [1], [0], [0], [0, 0, 1, 0], [], []>, transpose_lhs_hint = false} : vector<832x768xbf16>, vector<768x768xbf16>, vector<832x768xf32> -> vector<832x768xf32>
    %get3A_492 = arith.constant 0 : index
    %get3A_493 = arith.constant 0 : index
    %get3A_494 = vector.load %arg6[%get3A_492, %get3A_493] : memref<1x768xf32, #tpu.memory_space<vmem>>, vector<1x768xf32>
    %add3A_495 = vector.broadcast %get3A_494 : vector<1x768xf32> to vector<832x768xf32>
    %add3A_496 = arith.addf %dot_general3A_491, %add3A_495 : vector<832x768xf32>
    %get3A_497 = arith.index_cast %arg0 : i32 to index
    %get3A_498 = arith.constant 1536 : index
    %get3A_499 = vector.load %arg2[%get3A_497, %get3A_498] : memref<4x4608xf32, #tpu.memory_space<vmem>>, vector<1x768xf32>
    %get3A_500 = arith.constant 0 : index
    %get3A_501 = arith.constant 0 : index
    %get3A_502 = arith.constant 0 : index
    %get3A_503 = vector.load %arg1[%get3A_500, %get3A_501, %get3A_502] : memref<1x832x768xf32, #tpu.memory_space<vmem>>, vector<1x832x768xf32>
    %get3A_504 = vector.shape_cast %get3A_503 : vector<1x832x768xf32> to vector<832x768xf32>
    %iota3A_505 = tpu.iota {dimensions = array<i32: 0>} : vector<832x1xi32>
    %ge3A_506 = arith.constant 819 : i32
    %ge3A_507 = vector.broadcast %ge3A_506 : i32 to vector<832x1xi32>
    %ge3A_508 = arith.cmpi sge, %iota3A_505, %ge3A_507 : vector<832x1xi32>
    %mul3A_509 = vector.broadcast %get3A_499 : vector<1x768xf32> to vector<832x768xf32>
    %mul3A_510 = arith.mulf %mul3A_509, %add3A_496 : vector<832x768xf32>
    %add3A_511 = arith.addf %get3A_504, %mul3A_510 : vector<832x768xf32>
    %broadcast_in_dim3A_512 = vector.shape_cast %ge3A_508 : vector<832x1xi1> to vector<832x1xi1>
    %broadcast_in_dim3A_513 = vector.broadcast %broadcast_in_dim3A_512 : vector<832x1xi1> to vector<832x768xi1>
    %select_n3A_514 = arith.select %broadcast_in_dim3A_513, %get3A_504, %add3A_511 : vector<832x768xi1>, vector<832x768xf32>
    %reshape3A = vector.shape_cast %select_n3A_514 : vector<832x768xf32> to vector<1x832x768xf32>
    %swap3A_515 = arith.constant 0 : index
    %swap3A_516 = arith.constant 0 : index
    %swap3A_517 = arith.constant 0 : index
    %swap3A_518 = vector.load %arg7[%swap3A_515, %swap3A_516, %swap3A_517] : memref<1x832x768xf32, #tpu.memory_space<vmem>>, vector<1x832x768xf32>
    tpu.vector_store %arg7[%swap3A_515, %swap3A_516, %swap3A_517], %reshape3A {strides = array<i32>} : memref<1x832x768xf32, #tpu.memory_space<vmem>>, vector<1x832x768xf32>,
    return
  }
  func.func @transform_0(%arg0: i32) -> (i32, i32, i32) {
    %c0_i32 = arith.constant 0 : i32
    %c0_i32_0 = arith.constant 0 : i32
    %c0_i32_1 = arith.constant 0 : i32
    return %arg0, %c0_i32, %c0_i32_0 : i32, i32, i32
  }
  func.func @transform_1(%arg0: i32) -> (i32, i32) {
    %c0_i32 = arith.constant 0 : i32
    %c0_i32_0 = arith.constant 0 : i32
    %c0_i32_1 = arith.constant 0 : i32
    return %c0_i32, %c0_i32_0 : i32, i32
  }
  func.func @transform_2(%arg0: i32) -> (i32, i32) {
    %c0_i32 = arith.constant 0 : i32
    %c0_i32_0 = arith.constant 0 : i32
    %c0_i32_1 = arith.constant 0 : i32
    return %c0_i32, %c0_i32_0 : i32, i32
  }
  func.func @transform_3(%arg0: i32) -> (i32, i32) {
    %c0_i32 = arith.constant 0 : i32
    %c0_i32_0 = arith.constant 0 : i32
    %c0_i32_1 = arith.constant 0 : i32
    return %c0_i32, %c0_i32_0 : i32, i32
  }
  func.func @transform_4(%arg0: i32) -> (i32, i32) {
    %c0_i32 = arith.constant 0 : i32
    %c0_i32_0 = arith.constant 0 : i32
    %c0_i32_1 = arith.constant 0 : i32
    return %c0_i32, %c0_i32_0 : i32, i32
  }
  func.func @transform_5(%arg0: i32) -> (i32, i32) {
    %c0_i32 = arith.constant 0 : i32
    %c0_i32_0 = arith.constant 0 : i32
    %c0_i32_1 = arith.constant 0 : i32
    return %c0_i32, %c0_i32_0 : i32, i32
  }
  func.func @transform_6(%arg0: i32) -> (i32, i32, i32) {
    %c0_i32 = arith.constant 0 : i32
    %c0_i32_0 = arith.constant 0 : i32
    %c0_i32_1 = arith.constant 0 : i32
    return %arg0, %c0_i32, %c0_i32_0 : i32, i32, i32
  }
}

</mosaic_0001>

<sc_bundles>
// kernel: kernel.12.cloned.1.call-start
scs
__scs_entry_jumppad:
0x0: {  	(pc) =	sbr.rel $0x88, $3  }
0x1: {  	(tag) =	ssettag $0x0;
	lr =	simm.s32 $0x1  }
0x2: {  	[smem:$0x3F95] =	sst lr;
	_ =	strace $0xD0000000  }
0x3: {  	_ = 	snop  }
0x4: {  	_ = 	snop  }
0x5: {  	_ = 	snop  }
0x6: {  	_ = 	snop  }
0x7: {  	_ = 	snop  }
__scs_overlays_trampoline_lowered:
0x8: {  	[smem:$0x3FA4] =	sst s0  }
0x9: {  	[smem:$0x3FA5] =	sst s1  }
0xa: {  	[smem:$0x3FA6] =	sst s2  }
0xb: {  	[smem:$0x3FA7] =	sst s3  }
0xc: {  	[smem:$0x3FA8] =	sst s4  }
0xd: {  	[smem:$0x3FA9] =	sst s5  }
0xe: {  	[smem:$0x3FAA] =	sst s6  }
0xf: {  	[smem:$0x3FAB] =	sst s7  }
0x10: {  	[smem:$0x3FAC] =	sst s8  }
0x11: {  	[smem:$0x3FAD] =	sst s9;
	s0 =	simm.s32 @!p0 $0x0  }
0x12: {  	s1 =	sld [smem:$0x3F93];
	s0 =	simm.s32 @p0 $0x1  }
0x13: {  	[smem:$0x3FAE] =	sst s0;
	s0 =	simm.s32 @!p1 $0x0  }
0x14: {  	s2 =	sld [smem:$0x3F92];
	s0 =	simm.s32 @p1 $0x1  }
0x15: {  	[smem:$0x3FAF] =	sst s0;
	s0 =	simm.s32 @!p2 $0x0  }
0x16: {  	s3 =	sld [smem:$0x3FDB];
	s0 =	simm.s32 @p2 $0x1  }
0x17: {  	s4 =	simm.s32 $0x1BF5;
	[smem:$0x3FB1] =	sst s0  }
0x18: {  	s0 =	sld [smem:$0x3F94];
	_ =	swait.ge [sflag:s4], $0x0  }
0x19: {  	s7 =	sld [smem:$0x3F95]  }
0x1a: {  	s8 =	sadd.s32 $0xFFFFE003, lr  }
0x1b: {  	s9 =	sadd.s32 $0xFFFFFEF7, lr;
	s5 =	simm.s32 $0xFFFFFFFF;
	p2 =	slt.u32 s8, $0xFFFFF086  }
0x1c: {  	p1 =	slt.u32 s9, $0xF7A;
	s5 =	simm.s32 @!p2 $0x0  }
0x1d: {  	s5 =	simm.s32 @p1 $0x1;
	p0 =	seq.s32 s7, s2  }
0x1e: {  	s7 =	smul.u32 @!p0 $0xF7A, s2;
	p2 =	seq.s32 @!p0 s5, $0x0  }
0x1f: {  	s9 =	smul.u32 $0xF7A, s1;
	s8 =	simm.s32 @!p0 $0x1BF5;
	p2 =	por !p2, p0  }
0x20: {  	[sflag:s8] =	ssyncset.s32 @!p0 $0xFFFFF086;
	s6 =	sadd.s32 @!p0 s3, s7;
	s7 =	simm.s32 @!p0 $0x108  }
0x21: {  	s3 =	sadd.s32 s3, s9;
	s6 =	sadd.s32 @!p0 $0x88, s6;
	s7 =	simm.s32 @p2 $0x1082  }
0x22: {  	[simem:s7], [sflag:s8] =	dma.local @!p0 [hbm:s6], $0xF7A  }
0x23: {  	s9 =	sor.u32 $0xD0000000, s2;
	s6 =	simm.s32 $0x108;
	_ =	swait.ge @!p0 [sflag:s8], $0x0  }
0x24: {  	s3 =	sadd.s32 $0x88, s3;
	s6 =	simm.s32 @!p1 $0x1082;
	[sflag:s4] =	ssyncset.s32 $0xFFFFF086  }
0x25: {  	[simem:s6], [sflag:s4] =	dma.local [hbm:s3], $0xF7A  }
0x26: {  	[smem:$0x3F95] =	sst s1;
	(tag) =	ssettag s2;
	_ =	strace s9  }
0x27: {  	s1 =	sld [smem:$0x3FA5]  }
0x28: {  	s2 =	sld [smem:$0x3FA6]  }
0x29: {  	s4 =	sld [smem:$0x3FA8]  }
0x2a: {  	p0 =	seq.s32 s5, $0x0;
	s5 =	sld [smem:$0x3FA9]  }
0x2b: {  	s6 =	sld [smem:$0x3FAA]  }
0x2c: {  	s7 =	sld [smem:$0x3FAB]  }
0x2d: {  	s3 =	simm.s32 $0x108;
	s8 =	sld [smem:$0x3FAC]  }
0x2e: {  	s3 =	simm.s32 @!p0 $0x1082;
	s9 =	sld [smem:$0x3FAD]  }
0x2f: {  	lr =	sadd.s32 s0, s3;
	s0 =	sld [smem:$0x3FA4]  }
0x30: {  	s3 =	sld [smem:$0x3FA7]  }
0x31: {  	[smem:$0x3FB0] =	sst s10  }
0x32: {  	s10 =	sld [smem:$0x3FAE];
	_ =	sdelay $0x3  }
0x33: {  	p0 =	seq.s32 s10, $0x1;
	s10 =	sld [smem:$0x3FB0];
	_ =	sdelay $0x3  }
0x34: {  	[smem:$0x3FB0] =	sst s10  }
0x35: {  	s10 =	sld [smem:$0x3FAF];
	_ =	sdelay $0x3  }
0x36: {  	p1 =	seq.s32 s10, $0x1;
	s10 =	sld [smem:$0x3FB0];
	_ =	sdelay $0x3  }
0x37: {  	[smem:$0x3FB0] =	sst s10  }
0x38: {  	s10 =	sld [smem:$0x3FB1]  }
0x39: {  	_ = 	snop;
	(pc) =	sbr.ind lr, $3  }
0x3a: {  	_ = 	snop  }
0x3b: {  	_ = 	snop  }
0x3c: {  	p2 =	seq.s32 s10, $0x1;
	s10 =	sld [smem:$0x3FB0]  }
0x3d: {  	_ =	shalt  }
0x3e: {  	_ =	shalt  }
0x3f: {  	_ =	shalt  }
0x40: {  	_ =	shalt  }
0x41: {  	_ =	shalt  }
0x42: {  	_ =	shalt  }
0x43: {  	_ =	shalt  }
0x44: {  	_ =	shalt  }
0x45: {  	_ =	shalt  }
0x46: {  	_ =	shalt  }
0x47: {  	_ =	shalt  }
0x48: {  	_ =	shalt  }
0x49: {  	_ =	shalt  }
0x4a: {  	_ =	shalt  }
0x4b: {  	_ =	shalt  }
0x4c: {  	_ =	shalt  }
0x4d: {  	_ =	shalt  }
0x4e: {  	_ =	shalt  }
0x4f: {  	_ =	shalt  }
0x50: {  	_ =	shalt  }
0x51: {  	_ =	shalt  }
0x52: {  	_ =	shalt  }
0x53: {  	_ =	shalt  }
0x54: {  	_ =	shalt  }
0x55: {  	_ =	shalt  }
0x56: {  	_ =	shalt  }
0x57: {  	_ =	shalt  }
0x58: {  	_ =	shalt  }
0x59: {  	_ =	shalt  }
0x5a: {  	_ =	shalt  }
0x5b: {  	_ =	shalt  }
0x5c: {  	_ =	shalt  }
0x5d: {  	_ =	shalt  }
0x5e: {  	_ =	shalt  }
0x5f: {  	_ =	shalt  }
0x60: {  	_ =	shalt  }
0x61: {  	_ =	shalt  }
0x62: {  	_ =	shalt  }
0x63: {  	_ =	shalt  }
0x64: {  	_ =	shalt  }
0x65: {  	_ =	shalt  }
0x66: {  	_ =	shalt  }
0x67: {  	_ =	shalt  }
0x68: {  	_ =	shalt  }
0x69: {  	_ =	shalt  }
0x6a: {  	_ =	shalt  }
0x6b: {  	_ =	shalt  }
0x6c: {  	_ =	shalt  }
0x6d: {  	_ =	shalt  }
0x6e: {  	_ =	shalt  }
0x6f: {  	_ =	shalt  }
0x70: {  	_ =	shalt  }
0x71: {  	_ =	shalt  }
0x72: {  	_ =	shalt  }
0x73: {  	_ =	shalt  }
0x74: {  	_ =	shalt  }
0x75: {  	_ =	shalt  }
0x76: {  	_ =	shalt  }
0x77: {  	_ =	shalt  }
0x78: {  	_ =	shalt  }
0x79: {  	_ =	shalt  }
0x7a: {  	_ =	shalt  }
0x7b: {  	_ =	shalt  }
0x7c: {  	_ =	shalt  }
0x7d: {  	_ =	shalt  }
0x7e: {  	_ =	shalt  }
0x7f: {  	_ =	shalt  }
0x80: {  	_ =	shalt  }
0x81: {  	_ =	shalt  }
0x82: {  	_ =	shalt  }
0x83: {  	_ =	shalt  }
0x84: {  	_ =	shalt  }
0x85: {  	_ =	shalt  }
0x86: {  	_ =	shalt  }
0x87: {  	_ =	shalt  }
.Lfunc_end0:
.L_simem_size_0:
called_computation.1_lowered:
.L_overlay_start_0:
0x88: {  	s2 =	sld [smem:$0x3FD9]  }
0x89: {  	s3 =	sld [smem:$0x3FFE];
	_ =	sdelay $0x1  }
0x8a: {  	s1 =	srdreg.scid  }
0x8b: {  	s0 =	sand.u32 $0x1, s1  }
0x8c: {  	s17 =	sshll.u32 s0, $0xA;
	s2 =	sadd.s32 s3, s2  }
0x8d: {  	s2 =	sadd.s32 s2, s17  }
0x8e: {  	[smem:$0x3FBC] =	sst s2  }
0x8f: {  	_ = 	snop  }
0x90: {  	s2 =	sld [smem:$0x3FC9];
	(tm) =	ssettm $0x1  }
0x91: {  	s18 =	sld [smem:$0x3FFB];
	_ =	sdelay $0x3  }
0x92: {  	_ =	strace s18  }
0x93: {  	s3 =	sld [smem:$0x3FFC];
	_ =	sdelay $0x3  }
0x94: {  	_ =	strace s3  }
0x95: {  	s3 =	sld [smem:$0x3FFD];
	_ =	sdelay $0x3  }
0x96: {  	_ =	strace s3  }
0x97: {  	_ =	strace $0x8FFFFFFF  }
0x98: {  	s19 =	sld [smem:$0x3FDB];
	_ =	sdelay $0x1  }
0x99: {  	s4 =	simm.s32 $_scs_section_size  }
0x9a: {  	s5 =	simm.s32 $_size__tile_overlayer_lowered;
	s6 =	simm.s32 $_tile_overlayer_lowered  }
0x9b: {  	s22 =	simm.s32 $0x1BFF;
	s21 =	sshll.u32 s6, $0x1;
	s3 =	sadd.s32 s4, s19  }
0x9c: {  	s7 =	simm.s32 $0x0;
	s20 =	sshll.u32 s5, $0x1;
	s5 =	sadd.s32 s21, s3  }
0x9d: {  	[timem:s7], [sflag:s22] =	dma.local [hbm:s5], s20  }
0x9e: {  	_ =	swait.ge [sflag:s22], s20  }
0x9f: {  	s4 =	ssub.s32 $0x0, s20;
	[sflag:s22] =	ssyncset.done $0x0  }
0xa0: {  	[sflag:s22] =	ssyncadd.s32 s4;
	_ =	sdelay $0x1  }
0xa1: {  	s23 =	simm.s32 $0x1B8B  }
0xa2: {  	_ =	swait.ge [sflag:s23], $0x1  }
0xa3: {  	[sflag:s23] =	ssyncset.done $0x0  }
0xa4: {  	s25 =	simm.s32 $0x1B8E;
	s24 =	sld [smem:$0x3FFE];
	[sflag:s23] =	ssyncadd.s32 $0xFFFFFFFF  }
0xa5: {  	s26 =	simm.s32 $execute0_lowered;
	[smem:$0x3FD2] =	sst s25  }
0xa6: {  	s5 =	sshll.u32 s26, $0x1;
	_ =	strace $0x80000049;
	[dreg:$0x1] =	wrdreg $0xFFFFFFFF  }
0xa7: {  	s28 =	simm.s32 $_size_execute0_lowered;
	s3 =	sadd.s32 s3, s5;
	[dreg:$0x0] =	wrdreg $0x0  }
0xa8: {  	s5 =	sshll.u32 s28, $0x1;
	[dreg:$0x2] =	wrdreg s3  }
0xa9: {  	[dreg:$0x3] =	wrdreg s5  }
0xaa: {  	[dreg:$0x4] =	wrdreg $0xC0  }
0xab: {  	_ =	task [dreg:s7], $0x5FFFF  }
0xac: {  	[dreg:$0x1] =	wrdreg $0xFFFFFFFF  }
0xad: {  	[dreg:$0x0] =	wrdreg $0x60  }
0xae: {  	[dreg:$0x2] =	wrdreg s2  }
0xaf: {  	[dreg:$0x3] =	wrdreg s24  }
0xb0: {  	[dreg:$0x4] =	wrdreg $0x9  }
0xb1: {  	_ =	task.clear_ibuf [dreg:s7], $0x5FFFF;
	_ =	strace $0x90000049  }
0xb2: {  	s29 =	simm.s32 $0x9;
	_ =	strace $0x8000004B  }
0xb3: {  	_ =	swait.ge [sflag:s29], $0x1  }
0xb4: {  	[sflag:s29] =	ssyncadd.s32 $0xFFFFFFFF  }
0xb5: {  	_ =	strace $0x9000004B  }
0xb6: {  	_ =	sfence  }
0xb7: {  	s30 =	sld [smem:$0x0];
	_ =	sdelay $0x2  }
0xb8: {  	s31 =	sshll.u32 s1, $0xD;
	s1 =	sshrl.u32 s1, $0x2  }
0xb9: {  	s3 =	sand.u32 $0x4000, s31;
	s1 =	sadd.s32 s1, s30  }
0xba: {  	s0 =	sor.u32 s3, s0;
	s1 =	sshll.u32 s1, $0x11  }
0xbb: {  	s0 =	sor.u32 s1, s0  }
0xbc: {  	s0 =	sadd.s32 $0x8F2B, s0  }
0xbd: {  	[sflag:s0] =	ssyncadd.remote.s32 $0x1  }
0xbe: {  	_ =	sfence.sel $0xFFFF  }
0xbf: {  	[dreg:$0x0] =	wrdreg $0xFFFFFFFF;
	(pc) =	sbr.abs _section_cstart, $3  }
0xc0: {  	[dreg:$0x1] =	wrdreg $0xFFFFFFFF  }
0xc1: {  	_ =	task.clear_ibuf [dreg:s7], $0x2FFFF;
	_ =	strace $0x9FFFFFFF  }
0xc2: {  	(tm) =	ssettm $0x7FFFFFFF  }
0xc3: {  	_ =	shalt  }
tec
execute0_lowered:
.L_overlay_start_1:
0x0: {  	(tag) =	ssettag $0x1  }
0x1: {  	s1 =	srdreg.scid;
	s0 =	stileid.u32  }
0x2: {  	s2 =	rddreg [dreg:$0x0];
	s1 =	sand.u32 $0x1, s1;
	s3 =	sshll.u32 s0, $0x1  }
0x3: {  	s5 =	rddreg [dreg:$0x1];
	s4 =	sor.u32 s1, s3;
	s3 =	simm.s32 $0x0  }
0x4: {  	s11 =	simm.s32 $0x880;
	[smem:$0x7FF] =	sst s3  }
0x5: {  	s12 =	simm.s32 $0x1080;
	_ =	strace $0x8000004A;
	[dreg:$0x5] =	wrdreg s11  }
0x6: {  	s13 =	simm.s32 $0x1880;
	[dreg:$0x6] =	wrdreg s12  }
0x7: {  	s14 =	simm.s32 $0x2080;
	[dreg:$0x7] =	wrdreg s13  }
0x8: {  	s15 =	simm.s32 $0x2880;
	[dreg:$0x8] =	wrdreg s14  }
0x9: {  	s16 =	simm.s32 $0x3080;
	[dreg:$0x9] =	wrdreg s15  }
0xa: {  	s17 =	simm.s32 $0x3880;
	[dreg:$0xa] =	wrdreg s16  }
0xb: {  	s18 =	simm.s32 $0x4080;
	s19 =	simm.s32 $0x4880;
	[dreg:$0xb] =	wrdreg s17  }
0xc: {  	s21 =	simm.s32 $0x5080;
	s22 =	simm.s32 $0x5880;
	[dreg:$0xc] =	wrdreg s18  }
0xd: {  	s23 =	simm.s32 $0x6080;
	s7 =	simm.s32 $0x6880;
	[dreg:$0xd] =	wrdreg s19  }
0xe: {  	s24 =	simm.s32 $0x7080;
	s25 =	simm.s32 $0x7880;
	[dreg:$0xe] =	wrdreg s21  }
0xf: {  	s8 =	simm.s32 $0x80;
	s26 =	simm.s32 $0x8080;
	[dreg:$0xf] =	wrdreg s22  }
0x10: {  	s28 =	simm.s32 $0x11880;
	s29 =	simm.s32 $0x12080;
	[dreg:$0x10] =	wrdreg s23  }
0x11: {  	s30 =	simm.s32 $0x12880;
	s31 =	simm.s32 $0x13080;
	[dreg:$0x11] =	wrdreg s7  }
0x12: {  	s1 =	ssub.s32 $0x2, s1;
	s6 =	smul.u32 $0xD, s4;
	[dreg:$0x12] =	wrdreg s24  }
0x13: {  	s4 =	smul.u32 $0x2700, s4;
	s20 =	sshrl.u32 s1, $0x1;
	[dreg:$0x13] =	wrdreg s25  }
0x14: {  	s1 =	ssub.s32 s1, s20;
	s7 =	simm.s32 $0x2;
	[dreg:$0x14] =	wrdreg s26  }
0x15: {  	s11 =	simm.s32 $0x9880;
	s12 =	simm.s32 $0xA080;
	s13 =	simm.s32 $0xA880  }
0x16: {  	s14 =	simm.s32 $0xB080;
	s15 =	simm.s32 $0xB880;
	s16 =	simm.s32 $0xC080  }
0x17: {  	s17 =	simm.s32 $0xC880;
	s18 =	simm.s32 $0xD080;
	s19 =	simm.s32 $0xD880  }
0x18: {  	s20 =	simm.s32 $0xE080;
	s21 =	simm.s32 $0xE880;
	s22 =	simm.s32 $0xF080  }
0x19: {  	s23 =	simm.s32 $0xF880;
	s24 =	simm.s32 $0x10080;
	s25 =	simm.s32 $0x10880  }
0x1a: {  	s26 =	simm.s32 $0x11080;
	s6 =	sadd.s32 s6, s5;
	s4 =	sadd.s32 s4, s5  }
0x1b: {  	v2 =	vlaneseq.u32;
	s5 =	sadd.s32 $0x200, s2;
	s10 =	sadd.s32 $0x6400, s6;
	s4 =	sadd.s32 $0x6600, s4  }
0x1c: {  	vm0 =	vmmov $0xffff;
	v1 =	vshrl.u32 v2, $0x3;
	s6 =	smax.u32 s1, $0x1;
	s1 =	simm.s32 $0x1;
	[dreg:$0x3] =	wrdreg s10  }
0x1d: {  	v0 =	vand.u32 $0x7, v2;
	v2 =	vor.u32 $0x8, v2;
	v1 =	vmul.u32 $0x8, v1;
	[dreg:$0x4] =	wrdreg s4;
	s4 =	sadd.s32 $0x100, s2;
	s10 =	simm.s32 $0x9080  }
.LBB2_1:
0x1e: {  	s0 =	rddreg [dreg:$0x3]  }
0x1f: {  	[tilespmem:s3], [sflag:$0x2] =	stream.linear.gather [hbm4b:s0+s3], $0x68, $0x38;
	[tilespmem:$0x13880] =	vst v63  }
0x20: {  	_ =	swait.ge [sflag:s7], $0x68  }
0x21: {  	[sflag:s7] =	ssyncset.done $0x0  }
0x22: {  	[sflag:s7] =	ssyncadd.s32 $0xFFFFFF98  }
0x23: {  	v3 =	vld [tilespmem:$0x0];
	_ =	sdelay $0x4  }
0x24: {  	v4 =	vshrl.u32 v3, $0x3  }
0x25: {  	v4 =	vmul.u32 $0x30, v4  }
0x26: {  	v3 =	vand.u32 $0x7, v3  }
0x27: {  	v3 =	vor.u32 v3, v4  }
0x28: {  	v4 =	vperm.xlane v3, v0;
	_ =	sdelay $0x1  }
0x29: {  	v4 =	vadd.s32 v1, v4;
	_ =	sdelay $0x3  }
0x2a: {  	v3 =	vperm.xlane v3, v2  }
0x2b: {  	[tilespmem:s8], [sflag:$0x1] =	stream.indirect_vreg.gather [hbm4b:s2+s3], $0x80, v4, vm0, $0xb8;
	[tilespmem:$0x13880] =	vst v63  }
0x2c: {  	s0 =	rddreg [dreg:$0x5];
	v3 =	vadd.s32 v1, v3  }
0x2d: {  	[tilespmem:s0], [sflag:$0x1] =	stream.indirect_vreg.gather [hbm4b:s4+s3], $0x80, v4, vm0, $0xb8;
	[tilespmem:$0x13880] =	vst v63  }
0x2e: {  	s9 =	rddreg [dreg:$0x6]  }
0x2f: {  	[tilespmem:s9], [sflag:$0x1] =	stream.indirect_vreg.gather [hbm4b:s5+s3], $0x80, v4, vm0, $0xb8;
	[tilespmem:$0x13880] =	vst v63  }
0x30: {  	s0 =	rddreg [dreg:$0x7]  }
0x31: {  	[tilespmem:s0], [sflag:$0x1] =	stream.indirect_vreg.gather [hbm4b:s2+s3], $0x80, v3, vm0, $0xb8;
	[tilespmem:$0x13880] =	vst v63  }
0x32: {  	s9 =	rddreg [dreg:$0x8]  }
0x33: {  	[tilespmem:s9], [sflag:$0x1] =	stream.indirect_vreg.gather [hbm4b:s4+s3], $0x80, v3, vm0, $0xb8;
	[tilespmem:$0x13880] =	vst v63  }
0x34: {  	s0 =	rddreg [dreg:$0x9]  }
0x35: {  	[tilespmem:s0], [sflag:$0x1] =	stream.indirect_vreg.gather [hbm4b:s5+s3], $0x80, v3, vm0, $0xb8;
	[tilespmem:$0x13880] =	vst v63  }
0x36: {  	v3 =	vld [tilespmem:$0x10];
	_ =	sdelay $0x4  }
0x37: {  	v58 =	vshrl.u32 v3, $0x3  }
0x38: {  	v4 =	vmul.u32 $0x30, v58  }
0x39: {  	v3 =	vand.u32 $0x7, v3  }
0x3a: {  	v3 =	vor.u32 v3, v4  }
0x3b: {  	v4 =	vperm.xlane v3, v0;
	_ =	sdelay $0x1  }
0x3c: {  	v4 =	vadd.s32 v1, v4;
	_ =	sdelay $0x3  }
0x3d: {  	s0 =	rddreg [dreg:$0xa];
	v3 =	vperm.xlane v3, v2  }
0x3e: {  	[tilespmem:s0], [sflag:$0x1] =	stream.indirect_vreg.gather [hbm4b:s2+s3], $0x80, v4, vm0, $0xb8;
	[tilespmem:$0x13880] =	vst v63  }
0x3f: {  	s9 =	rddreg [dreg:$0xb];
	v3 =	vadd.s32 v1, v3  }
0x40: {  	[tilespmem:s9], [sflag:$0x1] =	stream.indirect_vreg.gather [hbm4b:s4+s3], $0x80, v4, vm0, $0xb8;
	[tilespmem:$0x13880] =	vst v63  }
0x41: {  	s0 =	rddreg [dreg:$0xc]  }
0x42: {  	[tilespmem:s0], [sflag:$0x1] =	stream.indirect_vreg.gather [hbm4b:s5+s3], $0x80, v4, vm0, $0xb8;
	[tilespmem:$0x13880] =	vst v63  }
0x43: {  	s9 =	rddreg [dreg:$0xd]  }
0x44: {  	[tilespmem:s9], [sflag:$0x1] =	stream.indirect_vreg.gather [hbm4b:s2+s3], $0x80, v3, vm0, $0xb8;
	[tilespmem:$0x13880] =	vst v63  }
0x45: {  	s0 =	rddreg [dreg:$0xe]  }
0x46: {  	[tilespmem:s0], [sflag:$0x1] =	stream.indirect_vreg.gather [hbm4b:s4+s3], $0x80, v3, vm0, $0xb8;
	[tilespmem:$0x13880] =	vst v63  }
0x47: {  	s9 =	rddreg [dreg:$0xf]  }
0x48: {  	[tilespmem:s9], [sflag:$0x1] =	stream.indirect_vreg.gather [hbm4b:s5+s3], $0x80, v3, vm0, $0xb8;
	[tilespmem:$0x13880] =	vst v63  }
0x49: {  	v3 =	vld [tilespmem:$0x20];
	_ =	sdelay $0x4  }
0x4a: {  	v59 =	vshrl.u32 v3, $0x3  }
0x4b: {  	v4 =	vmul.u32 $0x30, v59  }
0x4c: {  	v3 =	vand.u32 $0x7, v3  }
0x4d: {  	v3 =	vor.u32 v3, v4  }
0x4e: {  	v4 =	vperm.xlane v3, v0;
	_ =	sdelay $0x1  }
0x4f: {  	v4 =	vadd.s32 v1, v4;
	_ =	sdelay $0x3  }
0x50: {  	s0 =	rddreg [dreg:$0x10];
	v3 =	vperm.xlane v3, v2  }
0x51: {  	[tilespmem:s0], [sflag:$0x1] =	stream.indirect_vreg.gather [hbm4b:s2+s3], $0x80, v4, vm0, $0xb8;
	[tilespmem:$0x13880] =	vst v63  }
0x52: {  	s9 =	rddreg [dreg:$0x11];
	v3 =	vadd.s32 v1, v3  }
0x53: {  	[tilespmem:s9], [sflag:$0x1] =	stream.indirect_vreg.gather [hbm4b:s4+s3], $0x80, v4, vm0, $0xb8;
	[tilespmem:$0x13880] =	vst v63  }
0x54: {  	s0 =	rddreg [dreg:$0x12]  }
0x55: {  	[tilespmem:s0], [sflag:$0x1] =	stream.indirect_vreg.gather [hbm4b:s5+s3], $0x80, v4, vm0, $0xb8;
	[tilespmem:$0x13880] =	vst v63  }
0x56: {  	s9 =	rddreg [dreg:$0x13]  }
0x57: {  	[tilespmem:s9], [sflag:$0x1] =	stream.indirect_vreg.gather [hbm4b:s2+s3], $0x80, v3, vm0, $0xb8;
	[tilespmem:$0x13880] =	vst v63  }
0x58: {  	s0 =	rddreg [dreg:$0x14]  }
0x59: {  	[tilespmem:s0], [sflag:$0x1] =	stream.indirect_vreg.gather [hbm4b:s4+s3], $0x80, v3, vm0, $0xb8;
	[tilespmem:$0x13880] =	vst v63  }
0x5a: {  	s9 =	simm.s32 $0x8880  }
0x5b: {  	[tilespmem:s9], [sflag:$0x1] =	stream.indirect_vreg.gather [hbm4b:s5+s3], $0x80, v3, vm0, $0xb8;
	[tilespmem:$0x13880] =	vst v63  }
0x5c: {  	v3 =	vld [tilespmem:$0x30];
	_ =	sdelay $0x4  }
0x5d: {  	v60 =	vshrl.u32 v3, $0x3  }
0x5e: {  	v4 =	vmul.u32 $0x30, v60  }
0x5f: {  	v3 =	vand.u32 $0x7, v3  }
0x60: {  	v3 =	vor.u32 v3, v4  }
0x61: {  	v4 =	vperm.xlane v3, v0;
	_ =	sdelay $0x1  }
0x62: {  	v4 =	vadd.s32 v1, v4;
	_ =	sdelay $0x3  }
0x63: {  	v3 =	vperm.xlane v3, v2  }
0x64: {  	[tilespmem:s10], [sflag:$0x1] =	stream.indirect_vreg.gather [hbm4b:s2+s3], $0x80, v4, vm0, $0xb8;
	[tilespmem:$0x13880] =	vst v63  }
0x65: {  	v3 =	vadd.s32 v1, v3  }
0x66: {  	[tilespmem:s11], [sflag:$0x1] =	stream.indirect_vreg.gather [hbm4b:s4+s3], $0x80, v4, vm0, $0xb8;
	[tilespmem:$0x13880] =	vst v63  }
0x67: {  	_ = 	snop  }
0x68: {  	[tilespmem:s12], [sflag:$0x1] =	stream.indirect_vreg.gather [hbm4b:s5+s3], $0x80, v4, vm0, $0xb8;
	[tilespmem:$0x13880] =	vst v63  }
0x69: {  	_ = 	snop  }
0x6a: {  	[tilespmem:s13], [sflag:$0x1] =	stream.indirect_vreg.gather [hbm4b:s2+s3], $0x80, v3, vm0, $0xb8;
	[tilespmem:$0x13880] =	vst v63  }
0x6b: {  	_ = 	snop  }
0x6c: {  	[tilespmem:s14], [sflag:$0x1] =	stream.indirect_vreg.gather [hbm4b:s4+s3], $0x80, v3, vm0, $0xb8;
	[tilespmem:$0x13880] =	vst v63  }
0x6d: {  	_ = 	snop  }
0x6e: {  	[tilespmem:s15], [sflag:$0x1] =	stream.indirect_vreg.gather [hbm4b:s5+s3], $0x80, v3, vm0, $0xb8;
	[tilespmem:$0x13880] =	vst v63  }
0x6f: {  	v3 =	vld [tilespmem:$0x40];
	_ =	sdelay $0x4  }
0x70: {  	v61 =	vshrl.u32 v3, $0x3  }
0x71: {  	v4 =	vmul.u32 $0x30, v61  }
0x72: {  	v3 =	vand.u32 $0x7, v3  }
0x73: {  	v3 =	vor.u32 v3, v4  }
0x74: {  	v4 =	vperm.xlane v3, v0;
	_ =	sdelay $0x1  }
0x75: {  	v4 =	vadd.s32 v1, v4;
	_ =	sdelay $0x3  }
0x76: {  	v3 =	vperm.xlane v3, v2  }
0x77: {  	[tilespmem:s16], [sflag:$0x1] =	stream.indirect_vreg.gather [hbm4b:s2+s3], $0x80, v4, vm0, $0xb8;
	[tilespmem:$0x13880] =	vst v63  }
0x78: {  	v3 =	vadd.s32 v1, v3  }
0x79: {  	[tilespmem:s17], [sflag:$0x1] =	stream.indirect_vreg.gather [hbm4b:s4+s3], $0x80, v4, vm0, $0xb8;
	[tilespmem:$0x13880] =	vst v63  }
0x7a: {  	_ = 	snop  }
0x7b: {  	[tilespmem:s18], [sflag:$0x1] =	stream.indirect_vreg.gather [hbm4b:s5+s3], $0x80, v4, vm0, $0xb8;
	[tilespmem:$0x13880] =	vst v63  }
0x7c: {  	_ = 	snop  }
0x7d: {  	[tilespmem:s19], [sflag:$0x1] =	stream.indirect_vreg.gather [hbm4b:s2+s3], $0x80, v3, vm0, $0xb8;
	[tilespmem:$0x13880] =	vst v63  }
0x7e: {  	_ = 	snop  }
0x7f: {  	[tilespmem:s20], [sflag:$0x1] =	stream.indirect_vreg.gather [hbm4b:s4+s3], $0x80, v3, vm0, $0xb8;
	[tilespmem:$0x13880] =	vst v63  }
0x80: {  	_ = 	snop  }
0x81: {  	[tilespmem:s21], [sflag:$0x1] =	stream.indirect_vreg.gather [hbm4b:s5+s3], $0x80, v3, vm0, $0xb8;
	[tilespmem:$0x13880] =	vst v63  }
0x82: {  	v3 =	vld [tilespmem:$0x50];
	_ =	sdelay $0x4  }
0x83: {  	v62 =	vshrl.u32 v3, $0x3  }
0x84: {  	v4 =	vmul.u32 $0x30, v62  }
0x85: {  	v3 =	vand.u32 $0x7, v3  }
0x86: {  	v3 =	vor.u32 v3, v4  }
0x87: {  	v4 =	vperm.xlane v3, v0;
	_ =	sdelay $0x1  }
0x88: {  	v4 =	vadd.s32 v1, v4;
	_ =	sdelay $0x3  }
0x89: {  	v3 =	vperm.xlane v3, v2  }
0x8a: {  	[tilespmem:s22], [sflag:$0x1] =	stream.indirect_vreg.gather [hbm4b:s2+s3], $0x80, v4, vm0, $0xb8;
	[tilespmem:$0x13880] =	vst v63  }
0x8b: {  	v3 =	vadd.s32 v1, v3  }
0x8c: {  	[tilespmem:s23], [sflag:$0x1] =	stream.indirect_vreg.gather [hbm4b:s4+s3], $0x80, v4, vm0, $0xb8;
	[tilespmem:$0x13880] =	vst v63  }
0x8d: {  	_ = 	snop  }
0x8e: {  	[tilespmem:s24], [sflag:$0x1] =	stream.indirect_vreg.gather [hbm4b:s5+s3], $0x80, v4, vm0, $0xb8;
	[tilespmem:$0x13880] =	vst v63  }
0x8f: {  	_ = 	snop  }
0x90: {  	[tilespmem:s25], [sflag:$0x1] =	stream.indirect_vreg.gather [hbm4b:s2+s3], $0x80, v3, vm0, $0xb8;
	[tilespmem:$0x13880] =	vst v63  }
0x91: {  	_ = 	snop  }
0x92: {  	[tilespmem:s26], [sflag:$0x1] =	stream.indirect_vreg.gather [hbm4b:s4+s3], $0x80, v3, vm0, $0xb8;
	[tilespmem:$0x13880] =	vst v63  }
0x93: {  	_ = 	snop  }
0x94: {  	[tilespmem:s28], [sflag:$0x1] =	stream.indirect_vreg.gather [hbm4b:s5+s3], $0x80, v3, vm0, $0xb8;
	[tilespmem:$0x13880] =	vst v63  }
0x95: {  	v3 =	vld.msk [tilespmem:$0x60], $0xff;
	_ =	sdelay $0x4  }
0x96: {  	v63 =	vshrl.u32 v3, $0x3  }
0x97: {  	v4 =	vmul.u32 $0x30, v63  }
0x98: {  	v3 =	vand.u32 $0x7, v3  }
0x99: {  	v3 =	vor.u32 v3, v4  }
0x9a: {  	v3 =	vperm.xlane v3, v0;
	_ =	sdelay $0x1  }
0x9b: {  	v3 =	vadd.s32 v1, v3;
	_ =	sdelay $0x4  }
0x9c: {  	[tilespmem:s29], [sflag:$0x1] =	stream.indirect_vreg.gather [hbm4b:s2+s3], $0x80, v3, vm0, $0xb8;
	[tilespmem:$0x13880] =	vst v63  }
0x9d: {  	_ = 	snop  }
0x9e: {  	[tilespmem:s30], [sflag:$0x1] =	stream.indirect_vreg.gather [hbm4b:s4+s3], $0x80, v3, vm0, $0xb8;
	[tilespmem:$0x13880] =	vst v63  }
0x9f: {  	_ = 	snop  }
0xa0: {  	[tilespmem:s31], [sflag:$0x1] =	stream.indirect_vreg.gather [hbm4b:s5+s3], $0x80, v3, vm0, $0xb8;
	[tilespmem:$0x13880] =	vst v63  }
0xa1: {  	_ =	swait.ge [sflag:s1], $0x13800  }
0xa2: {  	p0 =	sne.s32 s6, $0x1;
	[sflag:s1] =	ssyncset.done $0x0  }
.Ltmp0:
0xa3: {  	s9 =	rddreg [dreg:$0x4];
	[sflag:s1] =	ssyncadd.s32 $0xFFFEC800;
	(pc) =	sbr.rel @p0 .LBB2_1-.Ltmp0, $4  }
0xa4: {  	[hbm4b:s9+s3] =	stream.linear.scatter [tilespmem:s8], [sflag:$0x2], $0x13800, $0x38;
	[tilespmem:$0x13880] =	vst v63  }
0xa5: {  	_ =	swait.ge [sflag:s7], $0x13800  }
0xa6: {  	[sflag:s7] =	ssyncset.done $0x0  }
0xa7: {  	s6 =	sadd.s32 $0xFFFFFFFF, s6;
	[sflag:s7] =	ssyncadd.s32 $0xFFFEC800  }
0xa8: {  	_ =	sfence.sel $0x180000  }
0xa9: {  	[bflag:$0x0] =	sbarrier.arrive $0xFFFF  }
0xaa: {  	_ =	strace $0x9000004A  }
0xab: {  	s0 =	stileid.u32;
	[bflag:$0x2] =	sbarrier.arrive $0xFFFF  }
0xac: {  	p0 =	sne.s32 s0, $0x0;
	s0 =	rddreg [dreg:$0x2]  }
0xad: {  	s0 =	sadd.s32 @!p0 $0x100000, s0  }
0xae: {  	[sflag:s0] =	ssyncadd.tile.s32 @!p0 $0x1;
	_ =	shalt  }
.Lfunc_end2:
_tile_overlayer_lowered:
.L_overlay_start_2:
0xaf: {  	(tag) =	ssettag $0x2  }
0xb0: {  	s0 =	rddreg [dreg:$0x0];
	s2 =	stileid.u32  }
0xb1: {  	s1 =	rddreg [dreg:$0x1];
	p0 =	sne.s32 s2, $0x0  }
0xb2: {  	s3 =	rddreg [dreg:$0x2];
	[bflag:$0x3] =	sbarrier.arrive $0xFFFF;
	s2 =	simm.s32 @!p0 $0x1C02  }
0xb3: {  	[timem:s3], [sflag:s2] =	dma.local @!p0 [hbm:s0], s1  }
0xb4: {  	s0 =	simm.s32 @!p0 $0x2  }
0xb5: {  	_ =	swait.ge @!p0 [sflag:s0], s1  }
0xb6: {  	s1 =	ssub.s32 @!p0 $0x0, s1;
	[sflag:s0] =	ssyncset.done @!p0 $0x0  }
0xb7: {  	[sflag:s0] =	ssyncadd.s32 @!p0 s1  }
0xb8: {  	[bflag:$0x3] =	sbarrier.arrive $0xFFFF  }
0xb9: {  	_ =	shalt  }

// kernel: kernel.15.cloned.1.call-start
scs
__scs_entry_jumppad:
0x0: {  	(pc) =	sbr.rel $0x88, $3  }
0x1: {  	(tag) =	ssettag $0x0;
	lr =	simm.s32 $0x1  }
0x2: {  	[smem:$0x3F95] =	sst lr;
	_ =	strace $0xD0000000  }
0x3: {  	_ = 	snop  }
0x4: {  	_ = 	snop  }
0x5: {  	_ = 	snop  }
0x6: {  	_ = 	snop  }
0x7: {  	_ = 	snop  }
__scs_overlays_trampoline_lowered:
0x8: {  	[smem:$0x3FA4] =	sst s0  }
0x9: {  	[smem:$0x3FA5] =	sst s1  }
0xa: {  	[smem:$0x3FA6] =	sst s2  }
0xb: {  	[smem:$0x3FA7] =	sst s3  }
0xc: {  	[smem:$0x3FA8] =	sst s4  }
0xd: {  	[smem:$0x3FA9] =	sst s5  }
0xe: {  	[smem:$0x3FAA] =	sst s6  }
0xf: {  	[smem:$0x3FAB] =	sst s7  }
0x10: {  	[smem:$0x3FAC] =	sst s8  }
0x11: {  	[smem:$0x3FAD] =	sst s9;
	s0 =	simm.s32 @!p0 $0x0  }
0x12: {  	s1 =	sld [smem:$0x3F93];
	s0 =	simm.s32 @p0 $0x1  }
0x13: {  	[smem:$0x3FAE] =	sst s0;
	s0 =	simm.s32 @!p1 $0x0  }
0x14: {  	s2 =	sld [smem:$0x3F92];
	s0 =	simm.s32 @p1 $0x1  }
0x15: {  	[smem:$0x3FAF] =	sst s0;
	s0 =	simm.s32 @!p2 $0x0  }
0x16: {  	s3 =	sld [smem:$0x3FDB];
	s0 =	simm.s32 @p2 $0x1  }
0x17: {  	s4 =	simm.s32 $0x1BF5;
	[smem:$0x3FB1] =	sst s0  }
0x18: {  	s0 =	sld [smem:$0x3F94];
	_ =	swait.ge [sflag:s4], $0x0  }
0x19: {  	s7 =	sld [smem:$0x3F95]  }
0x1a: {  	s8 =	sadd.s32 $0xFFFFE003, lr  }
0x1b: {  	s9 =	sadd.s32 $0xFFFFFEF7, lr;
	s5 =	simm.s32 $0xFFFFFFFF;
	p2 =	slt.u32 s8, $0xFFFFF086  }
0x1c: {  	p1 =	slt.u32 s9, $0xF7A;
	s5 =	simm.s32 @!p2 $0x0  }
0x1d: {  	s5 =	simm.s32 @p1 $0x1;
	p0 =	seq.s32 s7, s2  }
0x1e: {  	s7 =	smul.u32 @!p0 $0xF7A, s2;
	p2 =	seq.s32 @!p0 s5, $0x0  }
0x1f: {  	s9 =	smul.u32 $0xF7A, s1;
	s8 =	simm.s32 @!p0 $0x1BF5;
	p2 =	por !p2, p0  }
0x20: {  	[sflag:s8] =	ssyncset.s32 @!p0 $0xFFFFF086;
	s6 =	sadd.s32 @!p0 s3, s7;
	s7 =	simm.s32 @!p0 $0x108  }
0x21: {  	s3 =	sadd.s32 s3, s9;
	s6 =	sadd.s32 @!p0 $0x88, s6;
	s7 =	simm.s32 @p2 $0x1082  }
0x22: {  	[simem:s7], [sflag:s8] =	dma.local @!p0 [hbm:s6], $0xF7A  }
0x23: {  	s9 =	sor.u32 $0xD0000000, s2;
	s6 =	simm.s32 $0x108;
	_ =	swait.ge @!p0 [sflag:s8], $0x0  }
0x24: {  	s3 =	sadd.s32 $0x88, s3;
	s6 =	simm.s32 @!p1 $0x1082;
	[sflag:s4] =	ssyncset.s32 $0xFFFFF086  }
0x25: {  	[simem:s6], [sflag:s4] =	dma.local [hbm:s3], $0xF7A  }
0x26: {  	[smem:$0x3F95] =	sst s1;
	(tag) =	ssettag s2;
	_ =	strace s9  }
0x27: {  	s1 =	sld [smem:$0x3FA5]  }
0x28: {  	s2 =	sld [smem:$0x3FA6]  }
0x29: {  	s4 =	sld [smem:$0x3FA8]  }
0x2a: {  	p0 =	seq.s32 s5, $0x0;
	s5 =	sld [smem:$0x3FA9]  }
0x2b: {  	s6 =	sld [smem:$0x3FAA]  }
0x2c: {  	s7 =	sld [smem:$0x3FAB]  }
0x2d: {  	s3 =	simm.s32 $0x108;
	s8 =	sld [smem:$0x3FAC]  }
0x2e: {  	s3 =	simm.s32 @!p0 $0x1082;
	s9 =	sld [smem:$0x3FAD]  }
0x2f: {  	lr =	sadd.s32 s0, s3;
	s0 =	sld [smem:$0x3FA4]  }
0x30: {  	s3 =	sld [smem:$0x3FA7]  }
0x31: {  	[smem:$0x3FB0] =	sst s10  }
0x32: {  	s10 =	sld [smem:$0x3FAE];
	_ =	sdelay $0x3  }
0x33: {  	p0 =	seq.s32 s10, $0x1;
	s10 =	sld [smem:$0x3FB0];
	_ =	sdelay $0x3  }
0x34: {  	[smem:$0x3FB0] =	sst s10  }
0x35: {  	s10 =	sld [smem:$0x3FAF];
	_ =	sdelay $0x3  }
0x36: {  	p1 =	seq.s32 s10, $0x1;
	s10 =	sld [smem:$0x3FB0];
	_ =	sdelay $0x3  }
0x37: {  	[smem:$0x3FB0] =	sst s10  }
0x38: {  	s10 =	sld [smem:$0x3FB1]  }
0x39: {  	_ = 	snop;
	(pc) =	sbr.ind lr, $3  }
0x3a: {  	_ = 	snop  }
0x3b: {  	_ = 	snop  }
0x3c: {  	p2 =	seq.s32 s10, $0x1;
	s10 =	sld [smem:$0x3FB0]  }
0x3d: {  	_ =	shalt  }
0x3e: {  	_ =	shalt  }
0x3f: {  	_ =	shalt  }
0x40: {  	_ =	shalt  }
0x41: {  	_ =	shalt  }
0x42: {  	_ =	shalt  }
0x43: {  	_ =	shalt  }
0x44: {  	_ =	shalt  }
0x45: {  	_ =	shalt  }
0x46: {  	_ =	shalt  }
0x47: {  	_ =	shalt  }
0x48: {  	_ =	shalt  }
0x49: {  	_ =	shalt  }
0x4a: {  	_ =	shalt  }
0x4b: {  	_ =	shalt  }
0x4c: {  	_ =	shalt  }
0x4d: {  	_ =	shalt  }
0x4e: {  	_ =	shalt  }
0x4f: {  	_ =	shalt  }
0x50: {  	_ =	shalt  }
0x51: {  	_ =	shalt  }
0x52: {  	_ =	shalt  }
0x53: {  	_ =	shalt  }
0x54: {  	_ =	shalt  }
0x55: {  	_ =	shalt  }
0x56: {  	_ =	shalt  }
0x57: {  	_ =	shalt  }
0x58: {  	_ =	shalt  }
0x59: {  	_ =	shalt  }
0x5a: {  	_ =	shalt  }
0x5b: {  	_ =	shalt  }
0x5c: {  	_ =	shalt  }
0x5d: {  	_ =	shalt  }
0x5e: {  	_ =	shalt  }
0x5f: {  	_ =	shalt  }
0x60: {  	_ =	shalt  }
0x61: {  	_ =	shalt  }
0x62: {  	_ =	shalt  }
0x63: {  	_ =	shalt  }
0x64: {  	_ =	shalt  }
0x65: {  	_ =	shalt  }
0x66: {  	_ =	shalt  }
0x67: {  	_ =	shalt  }
0x68: {  	_ =	shalt  }
0x69: {  	_ =	shalt  }
0x6a: {  	_ =	shalt  }
0x6b: {  	_ =	shalt  }
0x6c: {  	_ =	shalt  }
0x6d: {  	_ =	shalt  }
0x6e: {  	_ =	shalt  }
0x6f: {  	_ =	shalt  }
0x70: {  	_ =	shalt  }
0x71: {  	_ =	shalt  }
0x72: {  	_ =	shalt  }
0x73: {  	_ =	shalt  }
0x74: {  	_ =	shalt  }
0x75: {  	_ =	shalt  }
0x76: {  	_ =	shalt  }
0x77: {  	_ =	shalt  }
0x78: {  	_ =	shalt  }
0x79: {  	_ =	shalt  }
0x7a: {  	_ =	shalt  }
0x7b: {  	_ =	shalt  }
0x7c: {  	_ =	shalt  }
0x7d: {  	_ =	shalt  }
0x7e: {  	_ =	shalt  }
0x7f: {  	_ =	shalt  }
0x80: {  	_ =	shalt  }
0x81: {  	_ =	shalt  }
0x82: {  	_ =	shalt  }
0x83: {  	_ =	shalt  }
0x84: {  	_ =	shalt  }
0x85: {  	_ =	shalt  }
0x86: {  	_ =	shalt  }
0x87: {  	_ =	shalt  }
.Lfunc_end0:
.L_simem_size_0:
called_computation.2_lowered:
.L_overlay_start_0:
0x88: {  	s2 =	sld [smem:$0x3FD9]  }
0x89: {  	s3 =	sld [smem:$0x3FFE];
	_ =	sdelay $0x1  }
0x8a: {  	s1 =	srdreg.scid  }
0x8b: {  	s0 =	sand.u32 $0x1, s1  }
0x8c: {  	s17 =	sshll.u32 s0, $0xA;
	s2 =	sadd.s32 s3, s2  }
0x8d: {  	s2 =	sadd.s32 s2, s17  }
0x8e: {  	[smem:$0x3FBC] =	sst s2  }
0x8f: {  	_ = 	snop  }
0x90: {  	s2 =	sld [smem:$0x3FD0];
	(tm) =	ssettm $0x1  }
0x91: {  	s18 =	sld [smem:$0x3FFB];
	_ =	sdelay $0x3  }
0x92: {  	_ =	strace s18  }
0x93: {  	s3 =	sld [smem:$0x3FFC];
	_ =	sdelay $0x3  }
0x94: {  	_ =	strace s3  }
0x95: {  	s3 =	sld [smem:$0x3FFD];
	_ =	sdelay $0x3  }
0x96: {  	_ =	strace s3  }
0x97: {  	_ =	strace $0x8FFFFFFF  }
0x98: {  	s19 =	sld [smem:$0x3FDB];
	_ =	sdelay $0x1  }
0x99: {  	s4 =	simm.s32 $_scs_section_size  }
0x9a: {  	s5 =	simm.s32 $_size__tile_overlayer_lowered;
	s6 =	simm.s32 $_tile_overlayer_lowered  }
0x9b: {  	s22 =	simm.s32 $0x1BFF;
	s21 =	sshll.u32 s6, $0x1;
	s3 =	sadd.s32 s4, s19  }
0x9c: {  	s7 =	simm.s32 $0x0;
	s20 =	sshll.u32 s5, $0x1;
	s5 =	sadd.s32 s21, s3  }
0x9d: {  	[timem:s7], [sflag:s22] =	dma.local [hbm:s5], s20  }
0x9e: {  	_ =	swait.ge [sflag:s22], s20  }
0x9f: {  	s4 =	ssub.s32 $0x0, s20;
	[sflag:s22] =	ssyncset.done $0x0  }
0xa0: {  	[sflag:s22] =	ssyncadd.s32 s4;
	_ =	sdelay $0x1  }
0xa1: {  	s23 =	simm.s32 $0x1B8B  }
0xa2: {  	_ =	swait.ge [sflag:s23], $0x1  }
0xa3: {  	[sflag:s23] =	ssyncset.done $0x0  }
0xa4: {  	s25 =	simm.s32 $0x1B8E;
	s24 =	sld [smem:$0x3FFE];
	[sflag:s23] =	ssyncadd.s32 $0xFFFFFFFF  }
0xa5: {  	s26 =	simm.s32 $execute0_lowered;
	[smem:$0x3FD2] =	sst s25  }
0xa6: {  	s5 =	sshll.u32 s26, $0x1;
	_ =	strace $0x8000004C;
	[dreg:$0x1] =	wrdreg $0xFFFFFFFF  }
0xa7: {  	s28 =	simm.s32 $_size_execute0_lowered;
	s3 =	sadd.s32 s3, s5;
	[dreg:$0x0] =	wrdreg $0x0  }
0xa8: {  	s5 =	sshll.u32 s28, $0x1;
	[dreg:$0x2] =	wrdreg s3  }
0xa9: {  	[dreg:$0x3] =	wrdreg s5  }
0xaa: {  	[dreg:$0x4] =	wrdreg $0xC0  }
0xab: {  	_ =	task [dreg:s7], $0x5FFFF  }
0xac: {  	[dreg:$0x1] =	wrdreg $0xFFFFFFFF  }
0xad: {  	[dreg:$0x0] =	wrdreg $0x60  }
0xae: {  	[dreg:$0x2] =	wrdreg s2  }
0xaf: {  	[dreg:$0x3] =	wrdreg s24  }
0xb0: {  	[dreg:$0x4] =	wrdreg $0x9  }
0xb1: {  	_ =	task.clear_ibuf [dreg:s7], $0x5FFFF;
	_ =	strace $0x9000004C  }
0xb2: {  	s29 =	simm.s32 $0x9;
	_ =	strace $0x8000004E  }
0xb3: {  	_ =	swait.ge [sflag:s29], $0x1  }
0xb4: {  	[sflag:s29] =	ssyncadd.s32 $0xFFFFFFFF  }
0xb5: {  	_ =	strace $0x9000004E  }
0xb6: {  	_ =	sfence  }
0xb7: {  	s30 =	sld [smem:$0x0];
	_ =	sdelay $0x2  }
0xb8: {  	s31 =	sshll.u32 s1, $0xD;
	s1 =	sshrl.u32 s1, $0x2  }
0xb9: {  	s3 =	sand.u32 $0x4000, s31;
	s1 =	sadd.s32 s1, s30  }
0xba: {  	s0 =	sor.u32 s3, s0;
	s1 =	sshll.u32 s1, $0x11  }
0xbb: {  	s0 =	sor.u32 s1, s0  }
0xbc: {  	s0 =	sadd.s32 $0x8F2B, s0  }
0xbd: {  	[sflag:s0] =	ssyncadd.remote.s32 $0x1  }
0xbe: {  	_ =	sfence.sel $0xFFFF  }
0xbf: {  	[dreg:$0x0] =	wrdreg $0xFFFFFFFF;
	(pc) =	sbr.abs _section_cstart, $3  }
0xc0: {  	[dreg:$0x1] =	wrdreg $0xFFFFFFFF  }
0xc1: {  	_ =	task.clear_ibuf [dreg:s7], $0x2FFFF;
	_ =	strace $0x9FFFFFFF  }
0xc2: {  	(tm) =	ssettm $0x7FFFFFFF  }
0xc3: {  	_ =	shalt  }
tec
execute0_lowered:
.L_overlay_start_1:
0x0: {  	(tag) =	ssettag $0x1  }
0x1: {  	s1 =	srdreg.scid;
	s0 =	stileid.u32  }
0x2: {  	s2 =	rddreg [dreg:$0x0];
	s1 =	sand.u32 $0x1, s1;
	s3 =	sshll.u32 s0, $0x1  }
0x3: {  	s5 =	rddreg [dreg:$0x1];
	s4 =	sor.u32 s1, s3;
	s3 =	simm.s32 $0x0  }
0x4: {  	s11 =	simm.s32 $0x880;
	[smem:$0x7FF] =	sst s3  }
0x5: {  	s12 =	simm.s32 $0x1080;
	_ =	strace $0x8000004D;
	[dreg:$0x5] =	wrdreg s11  }
0x6: {  	s13 =	simm.s32 $0x1880;
	[dreg:$0x6] =	wrdreg s12  }
0x7: {  	s14 =	simm.s32 $0x2080;
	[dreg:$0x7] =	wrdreg s13  }
0x8: {  	s15 =	simm.s32 $0x2880;
	[dreg:$0x8] =	wrdreg s14  }
0x9: {  	s16 =	simm.s32 $0x3080;
	[dreg:$0x9] =	wrdreg s15  }
0xa: {  	s17 =	simm.s32 $0x3880;
	[dreg:$0xa] =	wrdreg s16  }
0xb: {  	s18 =	simm.s32 $0x4080;
	s19 =	simm.s32 $0x4880;
	[dreg:$0xb] =	wrdreg s17  }
0xc: {  	s21 =	simm.s32 $0x5080;
	s22 =	simm.s32 $0x5880;
	[dreg:$0xc] =	wrdreg s18  }
0xd: {  	s23 =	simm.s32 $0x6080;
	s7 =	simm.s32 $0x6880;
	[dreg:$0xd] =	wrdreg s19  }
0xe: {  	s24 =	simm.s32 $0x7080;
	s25 =	simm.s32 $0x7880;
	[dreg:$0xe] =	wrdreg s21  }
0xf: {  	s8 =	simm.s32 $0x80;
	s26 =	simm.s32 $0x8080;
	[dreg:$0xf] =	wrdreg s22  }
0x10: {  	s28 =	simm.s32 $0x11880;
	s29 =	simm.s32 $0x12080;
	[dreg:$0x10] =	wrdreg s23  }
0x11: {  	s30 =	simm.s32 $0x12880;
	s31 =	simm.s32 $0x13080;
	[dreg:$0x11] =	wrdreg s7  }
0x12: {  	s1 =	ssub.s32 $0x2, s1;
	s6 =	smul.u32 $0xD, s4;
	[dreg:$0x12] =	wrdreg s24  }
0x13: {  	s4 =	smul.u32 $0x2700, s4;
	s20 =	sshrl.u32 s1, $0x1;
	[dreg:$0x13] =	wrdreg s25  }
0x14: {  	s1 =	ssub.s32 s1, s20;
	s7 =	simm.s32 $0x2;
	[dreg:$0x14] =	wrdreg s26  }
0x15: {  	s11 =	simm.s32 $0x9880;
	s12 =	simm.s32 $0xA080;
	s13 =	simm.s32 $0xA880  }
0x16: {  	s14 =	simm.s32 $0xB080;
	s15 =	simm.s32 $0xB880;
	s16 =	simm.s32 $0xC080  }
0x17: {  	s17 =	simm.s32 $0xC880;
	s18 =	simm.s32 $0xD080;
	s19 =	simm.s32 $0xD880  }
0x18: {  	s20 =	simm.s32 $0xE080;
	s21 =	simm.s32 $0xE880;
	s22 =	simm.s32 $0xF080  }
0x19: {  	s23 =	simm.s32 $0xF880;
	s24 =	simm.s32 $0x10080;
	s25 =	simm.s32 $0x10880  }
0x1a: {  	s26 =	simm.s32 $0x11080;
	s6 =	sadd.s32 s6, s5;
	s4 =	sadd.s32 s4, s5  }
0x1b: {  	v2 =	vlaneseq.u32;
	s5 =	sadd.s32 $0x200, s2;
	s10 =	sadd.s32 $0x6400, s6;
	s4 =	sadd.s32 $0x54600, s4  }
0x1c: {  	vm0 =	vmmov $0xffff;
	v1 =	vshrl.u32 v2, $0x3;
	s6 =	smax.u32 s1, $0x1;
	s1 =	simm.s32 $0x1;
	[dreg:$0x3] =	wrdreg s10  }
0x1d: {  	v0 =	vand.u32 $0x7, v2;
	v2 =	vor.u32 $0x8, v2;
	v1 =	vmul.u32 $0x8, v1;
	[dreg:$0x4] =	wrdreg s4;
	s4 =	sadd.s32 $0x100, s2;
	s10 =	simm.s32 $0x9080  }
.LBB2_1:
0x1e: {  	s0 =	rddreg [dreg:$0x3]  }
0x1f: {  	[tilespmem:s3], [sflag:$0x2] =	stream.linear.gather [hbm4b:s0+s3], $0x68, $0x38;
	[tilespmem:$0x13880] =	vst v63  }
0x20: {  	_ =	swait.ge [sflag:s7], $0x68  }
0x21: {  	[sflag:s7] =	ssyncset.done $0x0  }
0x22: {  	s9 =	rddreg [dreg:$0x4];
	[sflag:s7] =	ssyncadd.s32 $0xFFFFFF98  }
0x23: {  	[tilespmem:s8], [sflag:$0x2] =	stream.linear.gather [hbm4b:s9+s3], $0x13800, $0x38;
	[tilespmem:$0x13880] =	vst v63  }
0x24: {  	_ =	swait.ge [sflag:s7], $0x13800  }
0x25: {  	[sflag:s7] =	ssyncset.done $0x0  }
0x26: {  	[sflag:s7] =	ssyncadd.s32 $0xFFFEC800  }
0x27: {  	v3 =	vld [tilespmem:$0x0];
	_ =	sdelay $0x4  }
0x28: {  	v4 =	vshrl.u32 v3, $0x3  }
0x29: {  	v4 =	vmul.u32 $0x30, v4  }
0x2a: {  	v3 =	vand.u32 $0x7, v3  }
0x2b: {  	v3 =	vor.u32 v3, v4  }
0x2c: {  	v4 =	vperm.xlane v3, v0;
	_ =	sdelay $0x1  }
0x2d: {  	v4 =	vadd.s32 v1, v4;
	_ =	sdelay $0x3  }
0x2e: {  	v3 =	vperm.xlane v3, v2  }
0x2f: {  	[hbm4b:s2+s3] =	stream.indirect_vreg.scatter [tilespmem:s8], [sflag:$0x1], $0x80, v4, vm0, $0xb8;
	[tilespmem:$0x13880] =	vst v63  }
0x30: {  	s0 =	rddreg [dreg:$0x5];
	v3 =	vadd.s32 v1, v3  }
0x31: {  	[hbm4b:s4+s3] =	stream.indirect_vreg.scatter [tilespmem:s0], [sflag:$0x1], $0x80, v4, vm0, $0xb8;
	[tilespmem:$0x13880] =	vst v63  }
0x32: {  	s9 =	rddreg [dreg:$0x6]  }
0x33: {  	[hbm4b:s5+s3] =	stream.indirect_vreg.scatter [tilespmem:s9], [sflag:$0x1], $0x80, v4, vm0, $0xb8;
	[tilespmem:$0x13880] =	vst v63  }
0x34: {  	s0 =	rddreg [dreg:$0x7]  }
0x35: {  	[hbm4b:s2+s3] =	stream.indirect_vreg.scatter [tilespmem:s0], [sflag:$0x1], $0x80, v3, vm0, $0xb8;
	[tilespmem:$0x13880] =	vst v63  }
0x36: {  	s9 =	rddreg [dreg:$0x8]  }
0x37: {  	[hbm4b:s4+s3] =	stream.indirect_vreg.scatter [tilespmem:s9], [sflag:$0x1], $0x80, v3, vm0, $0xb8;
	[tilespmem:$0x13880] =	vst v63  }
0x38: {  	s0 =	rddreg [dreg:$0x9]  }
0x39: {  	[hbm4b:s5+s3] =	stream.indirect_vreg.scatter [tilespmem:s0], [sflag:$0x1], $0x80, v3, vm0, $0xb8;
	[tilespmem:$0x13880] =	vst v63  }
0x3a: {  	v3 =	vld [tilespmem:$0x10];
	_ =	sdelay $0x4  }
0x3b: {  	v58 =	vshrl.u32 v3, $0x3  }
0x3c: {  	v4 =	vmul.u32 $0x30, v58  }
0x3d: {  	v3 =	vand.u32 $0x7, v3  }
0x3e: {  	v3 =	vor.u32 v3, v4  }
0x3f: {  	v4 =	vperm.xlane v3, v0;
	_ =	sdelay $0x1  }
0x40: {  	v4 =	vadd.s32 v1, v4;
	_ =	sdelay $0x3  }
0x41: {  	s0 =	rddreg [dreg:$0xa];
	v3 =	vperm.xlane v3, v2  }
0x42: {  	[hbm4b:s2+s3] =	stream.indirect_vreg.scatter [tilespmem:s0], [sflag:$0x1], $0x80, v4, vm0, $0xb8;
	[tilespmem:$0x13880] =	vst v63  }
0x43: {  	s9 =	rddreg [dreg:$0xb];
	v3 =	vadd.s32 v1, v3  }
0x44: {  	[hbm4b:s4+s3] =	stream.indirect_vreg.scatter [tilespmem:s9], [sflag:$0x1], $0x80, v4, vm0, $0xb8;
	[tilespmem:$0x13880] =	vst v63  }
0x45: {  	s0 =	rddreg [dreg:$0xc]  }
0x46: {  	[hbm4b:s5+s3] =	stream.indirect_vreg.scatter [tilespmem:s0], [sflag:$0x1], $0x80, v4, vm0, $0xb8;
	[tilespmem:$0x13880] =	vst v63  }
0x47: {  	s9 =	rddreg [dreg:$0xd]  }
0x48: {  	[hbm4b:s2+s3] =	stream.indirect_vreg.scatter [tilespmem:s9], [sflag:$0x1], $0x80, v3, vm0, $0xb8;
	[tilespmem:$0x13880] =	vst v63  }
0x49: {  	s0 =	rddreg [dreg:$0xe]  }
0x4a: {  	[hbm4b:s4+s3] =	stream.indirect_vreg.scatter [tilespmem:s0], [sflag:$0x1], $0x80, v3, vm0, $0xb8;
	[tilespmem:$0x13880] =	vst v63  }
0x4b: {  	s9 =	rddreg [dreg:$0xf]  }
0x4c: {  	[hbm4b:s5+s3] =	stream.indirect_vreg.scatter [tilespmem:s9], [sflag:$0x1], $0x80, v3, vm0, $0xb8;
	[tilespmem:$0x13880] =	vst v63  }
0x4d: {  	v3 =	vld [tilespmem:$0x20];
	_ =	sdelay $0x4  }
0x4e: {  	v59 =	vshrl.u32 v3, $0x3  }
0x4f: {  	v4 =	vmul.u32 $0x30, v59  }
0x50: {  	v3 =	vand.u32 $0x7, v3  }
0x51: {  	v3 =	vor.u32 v3, v4  }
0x52: {  	v4 =	vperm.xlane v3, v0;
	_ =	sdelay $0x1  }
0x53: {  	v4 =	vadd.s32 v1, v4;
	_ =	sdelay $0x3  }
0x54: {  	s0 =	rddreg [dreg:$0x10];
	v3 =	vperm.xlane v3, v2  }
0x55: {  	[hbm4b:s2+s3] =	stream.indirect_vreg.scatter [tilespmem:s0], [sflag:$0x1], $0x80, v4, vm0, $0xb8;
	[tilespmem:$0x13880] =	vst v63  }
0x56: {  	s9 =	rddreg [dreg:$0x11];
	v3 =	vadd.s32 v1, v3  }
0x57: {  	[hbm4b:s4+s3] =	stream.indirect_vreg.scatter [tilespmem:s9], [sflag:$0x1], $0x80, v4, vm0, $0xb8;
	[tilespmem:$0x13880] =	vst v63  }
0x58: {  	s0 =	rddreg [dreg:$0x12]  }
0x59: {  	[hbm4b:s5+s3] =	stream.indirect_vreg.scatter [tilespmem:s0], [sflag:$0x1], $0x80, v4, vm0, $0xb8;
	[tilespmem:$0x13880] =	vst v63  }
0x5a: {  	s9 =	rddreg [dreg:$0x13]  }
0x5b: {  	[hbm4b:s2+s3] =	stream.indirect_vreg.scatter [tilespmem:s9], [sflag:$0x1], $0x80, v3, vm0, $0xb8;
	[tilespmem:$0x13880] =	vst v63  }
0x5c: {  	s0 =	rddreg [dreg:$0x14]  }
0x5d: {  	[hbm4b:s4+s3] =	stream.indirect_vreg.scatter [tilespmem:s0], [sflag:$0x1], $0x80, v3, vm0, $0xb8;
	[tilespmem:$0x13880] =	vst v63  }
0x5e: {  	s9 =	simm.s32 $0x8880  }
0x5f: {  	[hbm4b:s5+s3] =	stream.indirect_vreg.scatter [tilespmem:s9], [sflag:$0x1], $0x80, v3, vm0, $0xb8;
	[tilespmem:$0x13880] =	vst v63  }
0x60: {  	v3 =	vld [tilespmem:$0x30];
	_ =	sdelay $0x4  }
0x61: {  	v60 =	vshrl.u32 v3, $0x3  }
0x62: {  	v4 =	vmul.u32 $0x30, v60  }
0x63: {  	v3 =	vand.u32 $0x7, v3  }
0x64: {  	v3 =	vor.u32 v3, v4  }
0x65: {  	v4 =	vperm.xlane v3, v0;
	_ =	sdelay $0x1  }
0x66: {  	v4 =	vadd.s32 v1, v4;
	_ =	sdelay $0x3  }
0x67: {  	v3 =	vperm.xlane v3, v2  }
0x68: {  	[hbm4b:s2+s3] =	stream.indirect_vreg.scatter [tilespmem:s10], [sflag:$0x1], $0x80, v4, vm0, $0xb8;
	[tilespmem:$0x13880] =	vst v63  }
0x69: {  	v3 =	vadd.s32 v1, v3  }
0x6a: {  	[hbm4b:s4+s3] =	stream.indirect_vreg.scatter [tilespmem:s11], [sflag:$0x1], $0x80, v4, vm0, $0xb8;
	[tilespmem:$0x13880] =	vst v63  }
0x6b: {  	_ = 	snop  }
0x6c: {  	[hbm4b:s5+s3] =	stream.indirect_vreg.scatter [tilespmem:s12], [sflag:$0x1], $0x80, v4, vm0, $0xb8;
	[tilespmem:$0x13880] =	vst v63  }
0x6d: {  	_ = 	snop  }
0x6e: {  	[hbm4b:s2+s3] =	stream.indirect_vreg.scatter [tilespmem:s13], [sflag:$0x1], $0x80, v3, vm0, $0xb8;
	[tilespmem:$0x13880] =	vst v63  }
0x6f: {  	_ = 	snop  }
0x70: {  	[hbm4b:s4+s3] =	stream.indirect_vreg.scatter [tilespmem:s14], [sflag:$0x1], $0x80, v3, vm0, $0xb8;
	[tilespmem:$0x13880] =	vst v63  }
0x71: {  	_ = 	snop  }
0x72: {  	[hbm4b:s5+s3] =	stream.indirect_vreg.scatter [tilespmem:s15], [sflag:$0x1], $0x80, v3, vm0, $0xb8;
	[tilespmem:$0x13880] =	vst v63  }
0x73: {  	v3 =	vld [tilespmem:$0x40];
	_ =	sdelay $0x4  }
0x74: {  	v61 =	vshrl.u32 v3, $0x3  }
0x75: {  	v4 =	vmul.u32 $0x30, v61  }
0x76: {  	v3 =	vand.u32 $0x7, v3  }
0x77: {  	v3 =	vor.u32 v3, v4  }
0x78: {  	v4 =	vperm.xlane v3, v0;
	_ =	sdelay $0x1  }
0x79: {  	v4 =	vadd.s32 v1, v4;
	_ =	sdelay $0x3  }
0x7a: {  	v3 =	vperm.xlane v3, v2  }
0x7b: {  	[hbm4b:s2+s3] =	stream.indirect_vreg.scatter [tilespmem:s16], [sflag:$0x1], $0x80, v4, vm0, $0xb8;
	[tilespmem:$0x13880] =	vst v63  }
0x7c: {  	v3 =	vadd.s32 v1, v3  }
0x7d: {  	[hbm4b:s4+s3] =	stream.indirect_vreg.scatter [tilespmem:s17], [sflag:$0x1], $0x80, v4, vm0, $0xb8;
	[tilespmem:$0x13880] =	vst v63  }
0x7e: {  	_ = 	snop  }
0x7f: {  	[hbm4b:s5+s3] =	stream.indirect_vreg.scatter [tilespmem:s18], [sflag:$0x1], $0x80, v4, vm0, $0xb8;
	[tilespmem:$0x13880] =	vst v63  }
0x80: {  	_ = 	snop  }
0x81: {  	[hbm4b:s2+s3] =	stream.indirect_vreg.scatter [tilespmem:s19], [sflag:$0x1], $0x80, v3, vm0, $0xb8;
	[tilespmem:$0x13880] =	vst v63  }
0x82: {  	_ = 	snop  }
0x83: {  	[hbm4b:s4+s3] =	stream.indirect_vreg.scatter [tilespmem:s20], [sflag:$0x1], $0x80, v3, vm0, $0xb8;
	[tilespmem:$0x13880] =	vst v63  }
0x84: {  	_ = 	snop  }
0x85: {  	[hbm4b:s5+s3] =	stream.indirect_vreg.scatter [tilespmem:s21], [sflag:$0x1], $0x80, v3, vm0, $0xb8;
	[tilespmem:$0x13880] =	vst v63  }
0x86: {  	v3 =	vld [tilespmem:$0x50];
	_ =	sdelay $0x4  }
0x87: {  	v62 =	vshrl.u32 v3, $0x3  }
0x88: {  	v4 =	vmul.u32 $0x30, v62  }
0x89: {  	v3 =	vand.u32 $0x7, v3  }
0x8a: {  	v3 =	vor.u32 v3, v4  }
0x8b: {  	v4 =	vperm.xlane v3, v0;
	_ =	sdelay $0x1  }
0x8c: {  	v4 =	vadd.s32 v1, v4;
	_ =	sdelay $0x3  }
0x8d: {  	v3 =	vperm.xlane v3, v2  }
0x8e: {  	[hbm4b:s2+s3] =	stream.indirect_vreg.scatter [tilespmem:s22], [sflag:$0x1], $0x80, v4, vm0, $0xb8;
	[tilespmem:$0x13880] =	vst v63  }
0x8f: {  	v3 =	vadd.s32 v1, v3  }
0x90: {  	[hbm4b:s4+s3] =	stream.indirect_vreg.scatter [tilespmem:s23], [sflag:$0x1], $0x80, v4, vm0, $0xb8;
	[tilespmem:$0x13880] =	vst v63  }
0x91: {  	_ = 	snop  }
0x92: {  	[hbm4b:s5+s3] =	stream.indirect_vreg.scatter [tilespmem:s24], [sflag:$0x1], $0x80, v4, vm0, $0xb8;
	[tilespmem:$0x13880] =	vst v63  }
0x93: {  	_ = 	snop  }
0x94: {  	[hbm4b:s2+s3] =	stream.indirect_vreg.scatter [tilespmem:s25], [sflag:$0x1], $0x80, v3, vm0, $0xb8;
	[tilespmem:$0x13880] =	vst v63  }
0x95: {  	_ = 	snop  }
0x96: {  	[hbm4b:s4+s3] =	stream.indirect_vreg.scatter [tilespmem:s26], [sflag:$0x1], $0x80, v3, vm0, $0xb8;
	[tilespmem:$0x13880] =	vst v63  }
0x97: {  	_ = 	snop  }
0x98: {  	[hbm4b:s5+s3] =	stream.indirect_vreg.scatter [tilespmem:s28], [sflag:$0x1], $0x80, v3, vm0, $0xb8;
	[tilespmem:$0x13880] =	vst v63  }
0x99: {  	v3 =	vld.msk [tilespmem:$0x60], $0xff;
	_ =	sdelay $0x4  }
0x9a: {  	v63 =	vshrl.u32 v3, $0x3  }
0x9b: {  	v4 =	vmul.u32 $0x30, v63  }
0x9c: {  	v3 =	vand.u32 $0x7, v3  }
0x9d: {  	v3 =	vor.u32 v3, v4  }
0x9e: {  	v3 =	vperm.xlane v3, v0;
	_ =	sdelay $0x1  }
0x9f: {  	v3 =	vadd.s32 v1, v3;
	_ =	sdelay $0x4  }
0xa0: {  	[hbm4b:s2+s3] =	stream.indirect_vreg.scatter [tilespmem:s29], [sflag:$0x1], $0x80, v3, vm0, $0xb8;
	[tilespmem:$0x13880] =	vst v63  }
0xa1: {  	p0 =	sne.s32 s6, $0x1  }
0xa2: {  	[hbm4b:s4+s3] =	stream.indirect_vreg.scatter [tilespmem:s30], [sflag:$0x1], $0x80, v3, vm0, $0xb8;
	[tilespmem:$0x13880] =	vst v63  }
.Ltmp0:
0xa3: {  	_ = 	snop;
	(pc) =	sbr.rel @p0 .LBB2_1-.Ltmp0, $4  }
0xa4: {  	[hbm4b:s5+s3] =	stream.indirect_vreg.scatter [tilespmem:s31], [sflag:$0x1], $0x80, v3, vm0, $0xb8;
	[tilespmem:$0x13880] =	vst v63  }
0xa5: {  	_ =	swait.ge [sflag:s1], $0x13800  }
0xa6: {  	[sflag:s1] =	ssyncset.done $0x0  }
0xa7: {  	s6 =	sadd.s32 $0xFFFFFFFF, s6;
	[sflag:s1] =	ssyncadd.s32 $0xFFFEC800  }
0xa8: {  	_ =	sfence.sel $0x180000  }
0xa9: {  	[bflag:$0x0] =	sbarrier.arrive $0xFFFF  }
0xaa: {  	_ =	strace $0x9000004D  }
0xab: {  	s0 =	stileid.u32;
	[bflag:$0x2] =	sbarrier.arrive $0xFFFF  }
0xac: {  	p0 =	sne.s32 s0, $0x0;
	s0 =	rddreg [dreg:$0x2]  }
0xad: {  	s0 =	sadd.s32 @!p0 $0x100000, s0  }
0xae: {  	[sflag:s0] =	ssyncadd.tile.s32 @!p0 $0x1;
	_ =	shalt  }
.Lfunc_end2:
_tile_overlayer_lowered:
.L_overlay_start_2:
0xaf: {  	(tag) =	ssettag $0x2  }
0xb0: {  	s0 =	rddreg [dreg:$0x0];
	s2 =	stileid.u32  }
0xb1: {  	s1 =	rddreg [dreg:$0x1];
	p0 =	sne.s32 s2, $0x0  }
0xb2: {  	s3 =	rddreg [dreg:$0x2];
	[bflag:$0x3] =	sbarrier.arrive $0xFFFF;
	s2 =	simm.s32 @!p0 $0x1C02  }
0xb3: {  	[timem:s3], [sflag:s2] =	dma.local @!p0 [hbm:s0], s1  }
0xb4: {  	s0 =	simm.s32 @!p0 $0x2  }
0xb5: {  	_ =	swait.ge @!p0 [sflag:s0], s1  }
0xb6: {  	s1 =	ssub.s32 @!p0 $0x0, s1;
	[sflag:s0] =	ssyncset.done @!p0 $0x0  }
0xb7: {  	[sflag:s0] =	ssyncadd.s32 @!p0 s1  }
0xb8: {  	[bflag:$0x3] =	sbarrier.arrive $0xFFFF  }
0xb9: {  	_ =	shalt  }

// kernel: kernel.9.cloned.1.call-start
scs
__scs_entry_jumppad:
0x0: {  	(pc) =	sbr.rel $0x88, $3  }
0x1: {  	(tag) =	ssettag $0x0;
	lr =	simm.s32 $0x1  }
0x2: {  	[smem:$0x3F95] =	sst lr;
	_ =	strace $0xD0000000  }
0x3: {  	_ = 	snop  }
0x4: {  	_ = 	snop  }
0x5: {  	_ = 	snop  }
0x6: {  	_ = 	snop  }
0x7: {  	_ = 	snop  }
__scs_overlays_trampoline_lowered:
0x8: {  	[smem:$0x3FA4] =	sst s0  }
0x9: {  	[smem:$0x3FA5] =	sst s1  }
0xa: {  	[smem:$0x3FA6] =	sst s2  }
0xb: {  	[smem:$0x3FA7] =	sst s3  }
0xc: {  	[smem:$0x3FA8] =	sst s4  }
0xd: {  	[smem:$0x3FA9] =	sst s5  }
0xe: {  	[smem:$0x3FAA] =	sst s6  }
0xf: {  	[smem:$0x3FAB] =	sst s7  }
0x10: {  	[smem:$0x3FAC] =	sst s8  }
0x11: {  	[smem:$0x3FAD] =	sst s9;
	s0 =	simm.s32 @!p0 $0x0  }
0x12: {  	s1 =	sld [smem:$0x3F93];
	s0 =	simm.s32 @p0 $0x1  }
0x13: {  	[smem:$0x3FAE] =	sst s0;
	s0 =	simm.s32 @!p1 $0x0  }
0x14: {  	s2 =	sld [smem:$0x3F92];
	s0 =	simm.s32 @p1 $0x1  }
0x15: {  	[smem:$0x3FAF] =	sst s0;
	s0 =	simm.s32 @!p2 $0x0  }
0x16: {  	s3 =	sld [smem:$0x3FDB];
	s0 =	simm.s32 @p2 $0x1  }
0x17: {  	s4 =	simm.s32 $0x1BF5;
	[smem:$0x3FB1] =	sst s0  }
0x18: {  	s0 =	sld [smem:$0x3F94];
	_ =	swait.ge [sflag:s4], $0x0  }
0x19: {  	s7 =	sld [smem:$0x3F95]  }
0x1a: {  	s8 =	sadd.s32 $0xFFFFE003, lr  }
0x1b: {  	s9 =	sadd.s32 $0xFFFFFEF7, lr;
	s5 =	simm.s32 $0xFFFFFFFF;
	p2 =	slt.u32 s8, $0xFFFFF086  }
0x1c: {  	p1 =	slt.u32 s9, $0xF7A;
	s5 =	simm.s32 @!p2 $0x0  }
0x1d: {  	s5 =	simm.s32 @p1 $0x1;
	p0 =	seq.s32 s7, s2  }
0x1e: {  	s7 =	smul.u32 @!p0 $0xF7A, s2;
	p2 =	seq.s32 @!p0 s5, $0x0  }
0x1f: {  	s9 =	smul.u32 $0xF7A, s1;
	s8 =	simm.s32 @!p0 $0x1BF5;
	p2 =	por !p2, p0  }
0x20: {  	[sflag:s8] =	ssyncset.s32 @!p0 $0xFFFFF086;
	s6 =	sadd.s32 @!p0 s3, s7;
	s7 =	simm.s32 @!p0 $0x108  }
0x21: {  	s3 =	sadd.s32 s3, s9;
	s6 =	sadd.s32 @!p0 $0x88, s6;
	s7 =	simm.s32 @p2 $0x1082  }
0x22: {  	[simem:s7], [sflag:s8] =	dma.local @!p0 [hbm:s6], $0xF7A  }
0x23: {  	s9 =	sor.u32 $0xD0000000, s2;
	s6 =	simm.s32 $0x108;
	_ =	swait.ge @!p0 [sflag:s8], $0x0  }
0x24: {  	s3 =	sadd.s32 $0x88, s3;
	s6 =	simm.s32 @!p1 $0x1082;
	[sflag:s4] =	ssyncset.s32 $0xFFFFF086  }
0x25: {  	[simem:s6], [sflag:s4] =	dma.local [hbm:s3], $0xF7A  }
0x26: {  	[smem:$0x3F95] =	sst s1;
	(tag) =	ssettag s2;
	_ =	strace s9  }
0x27: {  	s1 =	sld [smem:$0x3FA5]  }
0x28: {  	s2 =	sld [smem:$0x3FA6]  }
0x29: {  	s4 =	sld [smem:$0x3FA8]  }
0x2a: {  	p0 =	seq.s32 s5, $0x0;
	s5 =	sld [smem:$0x3FA9]  }
0x2b: {  	s6 =	sld [smem:$0x3FAA]  }
0x2c: {  	s7 =	sld [smem:$0x3FAB]  }
0x2d: {  	s3 =	simm.s32 $0x108;
	s8 =	sld [smem:$0x3FAC]  }
0x2e: {  	s3 =	simm.s32 @!p0 $0x1082;
	s9 =	sld [smem:$0x3FAD]  }
0x2f: {  	lr =	sadd.s32 s0, s3;
	s0 =	sld [smem:$0x3FA4]  }
0x30: {  	s3 =	sld [smem:$0x3FA7]  }
0x31: {  	[smem:$0x3FB0] =	sst s10  }
0x32: {  	s10 =	sld [smem:$0x3FAE];
	_ =	sdelay $0x3  }
0x33: {  	p0 =	seq.s32 s10, $0x1;
	s10 =	sld [smem:$0x3FB0];
	_ =	sdelay $0x3  }
0x34: {  	[smem:$0x3FB0] =	sst s10  }
0x35: {  	s10 =	sld [smem:$0x3FAF];
	_ =	sdelay $0x3  }
0x36: {  	p1 =	seq.s32 s10, $0x1;
	s10 =	sld [smem:$0x3FB0];
	_ =	sdelay $0x3  }
0x37: {  	[smem:$0x3FB0] =	sst s10  }
0x38: {  	s10 =	sld [smem:$0x3FB1]  }
0x39: {  	_ = 	snop;
	(pc) =	sbr.ind lr, $3  }
0x3a: {  	_ = 	snop  }
0x3b: {  	_ = 	snop  }
0x3c: {  	p2 =	seq.s32 s10, $0x1;
	s10 =	sld [smem:$0x3FB0]  }
0x3d: {  	_ =	shalt  }
0x3e: {  	_ =	shalt  }
0x3f: {  	_ =	shalt  }
0x40: {  	_ =	shalt  }
0x41: {  	_ =	shalt  }
0x42: {  	_ =	shalt  }
0x43: {  	_ =	shalt  }
0x44: {  	_ =	shalt  }
0x45: {  	_ =	shalt  }
0x46: {  	_ =	shalt  }
0x47: {  	_ =	shalt  }
0x48: {  	_ =	shalt  }
0x49: {  	_ =	shalt  }
0x4a: {  	_ =	shalt  }
0x4b: {  	_ =	shalt  }
0x4c: {  	_ =	shalt  }
0x4d: {  	_ =	shalt  }
0x4e: {  	_ =	shalt  }
0x4f: {  	_ =	shalt  }
0x50: {  	_ =	shalt  }
0x51: {  	_ =	shalt  }
0x52: {  	_ =	shalt  }
0x53: {  	_ =	shalt  }
0x54: {  	_ =	shalt  }
0x55: {  	_ =	shalt  }
0x56: {  	_ =	shalt  }
0x57: {  	_ =	shalt  }
0x58: {  	_ =	shalt  }
0x59: {  	_ =	shalt  }
0x5a: {  	_ =	shalt  }
0x5b: {  	_ =	shalt  }
0x5c: {  	_ =	shalt  }
0x5d: {  	_ =	shalt  }
0x5e: {  	_ =	shalt  }
0x5f: {  	_ =	shalt  }
0x60: {  	_ =	shalt  }
0x61: {  	_ =	shalt  }
0x62: {  	_ =	shalt  }
0x63: {  	_ =	shalt  }
0x64: {  	_ =	shalt  }
0x65: {  	_ =	shalt  }
0x66: {  	_ =	shalt  }
0x67: {  	_ =	shalt  }
0x68: {  	_ =	shalt  }
0x69: {  	_ =	shalt  }
0x6a: {  	_ =	shalt  }
0x6b: {  	_ =	shalt  }
0x6c: {  	_ =	shalt  }
0x6d: {  	_ =	shalt  }
0x6e: {  	_ =	shalt  }
0x6f: {  	_ =	shalt  }
0x70: {  	_ =	shalt  }
0x71: {  	_ =	shalt  }
0x72: {  	_ =	shalt  }
0x73: {  	_ =	shalt  }
0x74: {  	_ =	shalt  }
0x75: {  	_ =	shalt  }
0x76: {  	_ =	shalt  }
0x77: {  	_ =	shalt  }
0x78: {  	_ =	shalt  }
0x79: {  	_ =	shalt  }
0x7a: {  	_ =	shalt  }
0x7b: {  	_ =	shalt  }
0x7c: {  	_ =	shalt  }
0x7d: {  	_ =	shalt  }
0x7e: {  	_ =	shalt  }
0x7f: {  	_ =	shalt  }
0x80: {  	_ =	shalt  }
0x81: {  	_ =	shalt  }
0x82: {  	_ =	shalt  }
0x83: {  	_ =	shalt  }
0x84: {  	_ =	shalt  }
0x85: {  	_ =	shalt  }
0x86: {  	_ =	shalt  }
0x87: {  	_ =	shalt  }
.Lfunc_end0:
.L_simem_size_0:
called_computation_lowered:
.L_overlay_start_0:
0x88: {  	s2 =	sld [smem:$0x3FD9]  }
0x89: {  	s3 =	sld [smem:$0x3FFE];
	_ =	sdelay $0x1  }
0x8a: {  	s1 =	srdreg.scid  }
0x8b: {  	s0 =	sand.u32 $0x1, s1  }
0x8c: {  	s16 =	sshll.u32 s0, $0xA;
	s2 =	sadd.s32 s3, s2  }
0x8d: {  	s2 =	sadd.s32 s2, s16  }
0x8e: {  	[smem:$0x3FBC] =	sst s2  }
0x8f: {  	_ = 	snop  }
0x90: {  	(tm) =	ssettm $0x1  }
0x91: {  	s17 =	sld [smem:$0x3FFB];
	_ =	sdelay $0x3  }
0x92: {  	_ =	strace s17  }
0x93: {  	s2 =	sld [smem:$0x3FFC];
	_ =	sdelay $0x3  }
0x94: {  	_ =	strace s2  }
0x95: {  	s2 =	sld [smem:$0x3FFD];
	_ =	sdelay $0x3  }
0x96: {  	_ =	strace s2  }
0x97: {  	_ =	strace $0x8FFFFFFF  }
0x98: {  	s18 =	sld [smem:$0x3FDB];
	_ =	sdelay $0x1  }
0x99: {  	s19 =	simm.s32 $_scs_section_size  }
0x9a: {  	s4 =	simm.s32 $_size__tile_overlayer_lowered;
	s5 =	simm.s32 $_tile_overlayer_lowered  }
0x9b: {  	s22 =	simm.s32 $0x1BFF;
	s21 =	sshll.u32 s5, $0x1;
	s2 =	sadd.s32 s19, s18  }
0x9c: {  	s6 =	simm.s32 $0x0;
	s20 =	sshll.u32 s4, $0x1;
	s4 =	sadd.s32 s21, s2  }
0x9d: {  	[timem:s6], [sflag:s22] =	dma.local [hbm:s4], s20  }
0x9e: {  	_ =	swait.ge [sflag:s22], s20  }
0x9f: {  	s3 =	ssub.s32 $0x0, s20;
	[sflag:s22] =	ssyncset.done $0x0  }
0xa0: {  	[sflag:s22] =	ssyncadd.s32 s3;
	_ =	sdelay $0x1  }
0xa1: {  	s23 =	simm.s32 $0x1B8B  }
0xa2: {  	_ =	swait.ge [sflag:s23], $0x1  }
0xa3: {  	[sflag:s23] =	ssyncset.done $0x0  }
0xa4: {  	s25 =	simm.s32 $0x1B8E;
	s24 =	sld [smem:$0x3FFE];
	[sflag:s23] =	ssyncadd.s32 $0xFFFFFFFF  }
0xa5: {  	s26 =	simm.s32 $execute0_lowered;
	[smem:$0x3FD2] =	sst s25  }
0xa6: {  	s4 =	sshll.u32 s26, $0x1;
	_ =	strace $0x80000046;
	[dreg:$0x1] =	wrdreg $0xFFFFFFFF  }
0xa7: {  	s28 =	simm.s32 $_size_execute0_lowered;
	s2 =	sadd.s32 s2, s4;
	[dreg:$0x0] =	wrdreg $0x0  }
0xa8: {  	s4 =	sshll.u32 s28, $0x1;
	[dreg:$0x2] =	wrdreg s2  }
0xa9: {  	[dreg:$0x3] =	wrdreg s4  }
0xaa: {  	[dreg:$0x4] =	wrdreg $0xC0  }
0xab: {  	_ =	task [dreg:s6], $0x5FFFF  }
0xac: {  	[dreg:$0x1] =	wrdreg $0xFFFFFFFF  }
0xad: {  	[dreg:$0x0] =	wrdreg $0x60  }
0xae: {  	[dreg:$0x2] =	wrdreg s24  }
0xaf: {  	[dreg:$0x3] =	wrdreg $0x9  }
0xb0: {  	_ =	task.clear_ibuf [dreg:s6], $0x4FFFF;
	_ =	strace $0x90000046  }
0xb1: {  	s29 =	simm.s32 $0x9;
	_ =	strace $0x80000048  }
0xb2: {  	_ =	swait.ge [sflag:s29], $0x1  }
0xb3: {  	[sflag:s29] =	ssyncadd.s32 $0xFFFFFFFF  }
0xb4: {  	_ =	strace $0x90000048  }
0xb5: {  	_ =	sfence  }
0xb6: {  	s30 =	sld [smem:$0x0];
	_ =	sdelay $0x2  }
0xb7: {  	s31 =	sshll.u32 s1, $0xD;
	s1 =	sshrl.u32 s1, $0x2  }
0xb8: {  	s3 =	sand.u32 $0x4000, s31;
	s1 =	sadd.s32 s1, s30  }
0xb9: {  	s0 =	sor.u32 s3, s0;
	s1 =	sshll.u32 s1, $0x11  }
0xba: {  	s0 =	sor.u32 s1, s0  }
0xbb: {  	s0 =	sadd.s32 $0x8F2B, s0  }
0xbc: {  	[sflag:s0] =	ssyncadd.remote.s32 $0x1  }
0xbd: {  	_ =	sfence.sel $0xFFFF  }
0xbe: {  	[dreg:$0x0] =	wrdreg $0xFFFFFFFF;
	(pc) =	sbr.abs _section_cstart, $3  }
0xbf: {  	[dreg:$0x1] =	wrdreg $0xFFFFFFFF  }
0xc0: {  	_ =	task.clear_ibuf [dreg:s6], $0x2FFFF;
	_ =	strace $0x9FFFFFFF  }
0xc1: {  	(tm) =	ssettm $0x7FFFFFFF  }
tec
execute0_lowered:
.L_overlay_start_1:
0x0: {  	(tag) =	ssettag $0x1  }
0x1: {  	s1 =	stileid.u32  }
0x2: {  	p0 =	sgt.u32 s1, $0x1  }
.Ltmp0:
0x3: {  	_ = 	snop;
	(pc) =	sbr.rel @p0 .LBB2_7-.Ltmp0, $4  }
0x4: {  	_ = 	snop  }
0x5: {  	s3 =	rddreg [dreg:$0x0];
	s2 =	simm.s32 $0x0  }
0x6: {  	[smem:$0x7FF] =	sst s2  }
0x7: {  	s0 =	rddreg [dreg:$0x1];
	_ =	strace $0x80000047  }
0x8: {  	s4 =	srdreg.scid  }
0x9: {  	s29 =	sshll.u32 s1, $0x1;
	s10 =	sadd.s32 $0x4C00, s3;
	s30 =	sshll.u32 s1, $0xE  }
0xa: {  	s14 =	simm.s32 $0x2800;
	s15 =	simm.s32 $0x2000;
	s9 =	sand.u32 $0x1, s4  }
0xb: {  	s16 =	simm.s32 $0x2380;
	s17 =	simm.s32 $0x0;
	s8 =	sor.u32 s9, s29  }
0xc: {  	s11 =	ssub.s32 $0x2, s9;
	s31 =	sshll.u32 s9, $0xD;
	s4 =	smul.u32 $0x68, s8  }
0xd: {  	s5 =	sshll.u32 s8, $0x4;
	s12 =	sshll.u32 s8, $0xD;
	s13 =	sshrl.u32 s11, $0x1  }
0xe: {  	s8 =	sshll.u32 s8, $0xA;
	s5 =	sadd.s32 s5, s3;
	s11 =	ssub.s32 s11, s13  }
0xf: {  	s8 =	sadd.s32 s10, s8;
	s10 =	sor.u32 s31, s30;
	v0 =	vmov s12;
	s12 =	simm.s32 $0x2700  }
0x10: {  	s13 =	simm.s32 $0x2780;
	s7 =	sadd.s32 s4, s3;
	s3 =	sadd.s32 $0x5C00, s5  }
0x11: {  	v1 =	vlaneseq.u32;
	s4 =	sadd.s32 $0x5E00, s5;
	s5 =	sadd.s32 $0x6000, s5;
	s9 =	smax.u32 s11, $0x1  }
0x12: {  	v2 =	vimm.f32 $0.0e+00;
	v3 =	vimm.s32 $0x0;
	v4 =	vor.u32 $0x370, v1;
	s11 =	simm.s32 $0x1;
	s6 =	sadd.s32 $0x6400, s7;
	s7 =	sadd.s32 $0x6200, s7  }
.LBB2_2:
0x13: {  	s18 =	simm.s32 $0x0  }
0x14: {  	[tilespmem:s18], [sflag:$0x1] =	stream.linear.gather [hbm4b:s8+s18], $0x2000, $0x38;
	[tilespmem:$0x2880] =	vst v63  }
0x15: {  	_ =	swait.ge [sflag:s11], $0x2000  }
0x16: {  	[sflag:s11] =	ssyncset.done $0x0  }
0x17: {  	[sflag:s11] =	ssyncadd.s32 $0xFFFFE000  }
0x18: {  	[tilespmem:s12], [sflag:$0x1] =	stream.linear.gather [hbm4b:s3+s18], $0x10, $0x38;
	[tilespmem:$0x2880] =	vst v63  }
0x19: {  	_ =	swait.ge [sflag:s11], $0x10  }
0x1a: {  	[sflag:s11] =	ssyncset.done $0x0  }
0x1b: {  	[sflag:s11] =	ssyncadd.s32 $0xFFFFFFF0  }
0x1c: {  	[tilespmem:s13], [sflag:$0x1] =	stream.linear.gather [hbm4b:s4+s18], $0x10, $0x38;
	[tilespmem:$0x2880] =	vst v63  }
0x1d: {  	_ =	swait.ge [sflag:s11], $0x10  }
0x1e: {  	[sflag:s11] =	ssyncset.done $0x0  }
0x1f: {  	[sflag:s11] =	ssyncadd.s32 $0xFFFFFFF0  }
0x20: {  	[tilespmem:s14], [sflag:$0x1] =	stream.linear.gather [hbm4b:s5+s18], $0x10, $0x38;
	[tilespmem:$0x2880] =	vst v63  }
0x21: {  	_ =	swait.ge [sflag:s11], $0x10  }
0x22: {  	[sflag:s11] =	ssyncset.done $0x0  }
0x23: {  	[sflag:s11] =	ssyncadd.s32 $0xFFFFFFF0  }
0x24: {  	v7 =	vld [tilespmem:$0x2800];
	_ =	sdelay $0x3  }
0x25: {  	v5 =	vld [tilespmem:$0x2700]  }
0x26: {  	s19 =	simm.s32 $0x40;
	s20 =	simm.s32 $0x0;
	v6 =	vld [tilespmem:$0x2780];
	v7 =	vadd.s32 v0, v7  }
.LBB2_3:
0x27: {  	p0 =	sne.s32 s19, $0xDC0;
	[tilespmem:s20+$0x2000] =	vst v7;
	s21 =	smov.u32 s19;
	s19 =	sadd.s32 $0x40, s19  }
.Ltmp1:
0x28: {  	[tilespmem:s20+$0x2380] =	vst v2;
	(pc) =	sbr.rel @p0 .LBB2_3-.Ltmp1, $2  }
0x29: {  	_ =	sdelay $0x2  }
0x2a: {  	s20 =	sshra.s32 s21, $0x2  }
0x2b: {  	[tilespmem:s20+$0x2000] =	vst v7  }
0x2c: {  	[tilespmem:s20+$0x2380] =	vst v2;
	s19 =	simm.s32 $0x0  }
0x2d: {  	v7 =	vld [tilespmem:s19+$0x0];
	_ =	sdelay $0x4  }
0x2e: {  	vm0 =	veq.f32 v7, v5  }
0x2f: {  	v8 =	vsel vm0, $0x1, v3  }
0x30: {  	(xrf0) =	vadd.scan.msk.s32 $0xffff, v8;
	_ =	sdelay $0x2  }
0x31: {  	v9 =	vsub.f32 $0.0e+00, v7;
	_ =	sdelay $0x1  }
0x32: {  	v60 =	vmov s18;
	v8 =	vmul.f32 $1.442695020e+00, v9  }
0x33: {  	v9 =	vadd.s32 $0xFFFFFFFF, v60;
	v61, _, _ =	vpop (xrf0)  }
0x34: {  	(erf) = vpow2.f32 v8;
	v8 =	vbroadcast v9, $0x0;
	(v2sf) =	vpush v61, $0xF;
	_ =	sdelay $0x1  }
0x35: {  	v10 =	vadd.s32 v61, v8  }
0x36: {  	vm1 =	vlt.s32 v10, v6  }
0x37: {  	vm2 =	vgt.f32 v7, v5;
	vm0 =	vmand vm0, vm1  }
0x38: {  	vm0 =	vmor vm2, vm0  }
0x39: {  	v7 =	vsel vm0, $0x1, v3;
	_ =	sdelay $0x1  }
0x3a: {  	(xrf0) =	vadd.scan.msk.s32 $0xffff, v7  }
0x3b: {  	v7 =	vpop (erf)  }
0x3c: {  	v7 =	vadd.f32 $1.000000000e+00, v7;
	_ =	sdelay $0x1  }
0x3d: {  	(erf) = vrcp.f32 v7;
	_ =	sdelay $0x1  }
0x3e: {  	v7, _, _ =	vpop (xrf0)  }
0x3f: {  	v8 =	vadd.s32 v7, v8;
	s31 =	spop (v2sf);
	(v2sf) =	vpush v7, $0xF  }
0x40: {  	v8 =	vsel vm0, v8, v4;
	_ =	sdelay $0x3  }
0x41: {  	v62 =	vor.u32 s10, v1  }
0x42: {  	s22 =	simm.s32 $0x10;
	[tilespmem:v8+s15+$0x0] =	vst.idx.msk $0xffff, v62;
	v63 =	vpop (erf)  }
0x43: {  	s21 =	simm.s32 $0x80;
	s19 =	smov.u32 s10;
	s20 =	sadd.s32 $0x0, s31;
	[tilespmem:v8+s16+$0x0] =	vst.idx.msk $0xffff, v63  }
.LBB2_5:
0x44: {  	p0 =	sne.s32 s21, $0x7FC0;
	v7 =	vld [tilespmem:s22+$0x0];
	_ =	sdelay $0x4  }
0x45: {  	vm0 =	vgt.f32 v7, v5;
	vm1 =	veq.f32 v7, v5;
	v7 =	vsub.f32 $0.0e+00, v7  }
0x46: {  	v8 =	vsel vm1, $0x1, v3  }
0x47: {  	(xrf0) =	vadd.scan.msk.s32 $0xffff, v8;
	s22 =	spop (v2sf)  }
0x48: {  	s18 =	sadd.s32 s18, s22  }
0x49: {  	v7 =	vmul.f32 $1.442695020e+00, v7;
	v8 =	vmov s18  }
0x4a: {  	v9 =	vmov s20;
	v8 =	vadd.s32 $0xFFFFFFFF, v8  }
0x4b: {  	v10 =	vadd.s32 $0xFFFFFFFF, v9;
	v8 =	vbroadcast v8, $0x0;
	(erf) = vpow2.f32 v7  }
0x4c: {  	v7 =	vbroadcast v10, $0x0  }
0x4d: {  	v9, _, _ =	vpop (xrf0)  }
0x4e: {  	v7 =	vadd.s32 v9, v7;
	(v2sf) =	vpush v9, $0xF  }
0x4f: {  	vm2 =	vlt.s32 v7, v6  }
0x50: {  	vm1 =	vmand vm1, vm2  }
0x51: {  	vm0 =	vmor vm0, vm1  }
0x52: {  	v9 =	vsel vm0, $0x1, v3  }
0x53: {  	(xrf0) =	vadd.scan.msk.s32 $0xffff, v9  }
0x54: {  	v7 =	vpop (erf)  }
0x55: {  	v7 =	vadd.f32 $1.000000000e+00, v7;
	_ =	sdelay $0x1  }
0x56: {  	(erf) = vrcp.f32 v7;
	_ =	sdelay $0x1  }
0x57: {  	v7, _, _ =	vpop (xrf0)  }
0x58: {  	v8 =	vadd.s32 v7, v8;
	(v2sf) =	vpush v7, $0xF  }
0x59: {  	v7 =	vsel vm0, v8, v4;
	_ =	sdelay $0x1  }
.Ltmp2:
0x5a: {  	s22 =	spop (v2sf);
	(pc) =	sbr.rel @p0 .LBB2_5-.Ltmp2, $4  }
0x5b: {  	s19 =	sadd.s32 $0x10, s19;
	s20 =	sadd.s32 s20, s22  }
0x5c: {  	v9 =	vor.u32 s19, v1  }
0x5d: {  	[tilespmem:v7+s15+$0x0] =	vst.idx.msk $0xffff, v9;
	v8 =	vpop (erf)  }
0x5e: {  	s22 =	sshra.s32 s21, $0x2;
	s21 =	sadd.s32 $0x40, s21;
	[tilespmem:v7+s16+$0x0] =	vst.idx.msk $0xffff, v8  }
0x5f: {  	v7 =	vld [tilespmem:s22+$0x0];
	_ =	sdelay $0x4  }
0x60: {  	vm0 =	veq.f32 v7, v5  }
0x61: {  	v8 =	vsel vm0, $0x1, v3  }
0x62: {  	(xrf0) =	vadd.scan.msk.s32 $0xffff, v8;
	_ =	sdelay $0x2  }
0x63: {  	v63 =	vmov s20  }
0x64: {  	v8 =	vadd.s32 $0xFFFFFFFF, v63  }
0x65: {  	v8 =	vbroadcast v8, $0x0  }
0x66: {  	v9, _, _ =	vpop (xrf0)  }
0x67: {  	v8 =	vadd.s32 v9, v8  }
0x68: {  	vm1 =	vlt.s32 v8, v6;
	v6 =	vsub.f32 $0.0e+00, v7  }
0x69: {  	vm2 =	vgt.f32 v7, v5;
	vm0 =	vmand vm0, vm1  }
0x6a: {  	v5 =	vmul.f32 $1.442695020e+00, v6;
	vm0 =	vmor vm2, vm0  }
0x6b: {  	v6 =	vsel vm0, $0x1, v3  }
0x6c: {  	(erf) = vpow2.f32 v5;
	(xrf0) =	vadd.scan.msk.s32 $0xffff, v6;
	_ =	sdelay $0x5  }
0x6d: {  	(v2sf) =	vpush v9, $0xF;
	v5, _, _ =	vpop (xrf0)  }
0x6e: {  	(v2sf) =	vpush v5, $0xF;
	_ =	sdelay $0x1  }
0x6f: {  	s28 =	spop (v2sf);
	v6 =	vpop (erf)  }
0x70: {  	s18 =	sadd.s32 s18, s28;
	v6 =	vadd.f32 $1.000000000e+00, v6  }
0x71: {  	v7 =	vmov s18  }
0x72: {  	v7 =	vadd.s32 $0xFFFFFFFF, v7;
	(erf) = vrcp.f32 v6  }
0x73: {  	v6 =	vbroadcast v7, $0x0;
	_ =	sdelay $0x1  }
0x74: {  	v5 =	vadd.s32 v5, v6  }
0x75: {  	v5 =	vsel vm0, v5, v4  }
0x76: {  	s29 =	sadd.s32 $0x10, s19  }
0x77: {  	v6 =	vor.u32 s29, v1;
	_ =	sdelay $0x2  }
0x78: {  	s30 =	spop (v2sf);
	[tilespmem:v5+s15+$0x0] =	vst.idx.msk $0xffff, v6;
	v6 =	vpop (erf)  }
0x79: {  	[tilespmem:v5+s16+$0x0] =	vst.idx.msk $0xffff, v6;
	s31 =	spop (v2sf)  }
0x7a: {  	[hbm4b:s6+s2] =	stream.linear.scatter [tilespmem:s15], [sflag:$0x1], $0x340, $0x38;
	[tilespmem:$0x2880] =	vst v63  }
0x7b: {  	s17 =	sadd.s32 $0x1, s17;
	_ =	swait.ge [sflag:s11], $0x340  }
0x7c: {  	p0 =	sne.s32 s17, s9;
	[sflag:s11] =	ssyncset.done $0x0  }
.Ltmp3:
0x7d: {  	[sflag:s11] =	ssyncadd.s32 $0xFFFFFCC0;
	(pc) =	sbr.rel @p0 .LBB2_2-.Ltmp3, $4  }
0x7e: {  	[hbm4b:s7+s2] =	stream.linear.scatter [tilespmem:s16], [sflag:$0x1], $0x340, $0x38;
	[tilespmem:$0x2880] =	vst v63  }
0x7f: {  	_ =	swait.ge [sflag:s11], $0x340  }
0x80: {  	[sflag:s11] =	ssyncset.done $0x0  }
0x81: {  	[sflag:s11] =	ssyncadd.s32 $0xFFFFFCC0  }
.LBB2_7:
0x82: {  	_ =	sfence.sel $0x180000  }
0x83: {  	[bflag:$0x0] =	sbarrier.arrive $0xFFFF  }
0x84: {  	p0 =	sne.s32 s1, $0x0;
	_ =	strace $0x90000047  }
0x85: {  	s0 =	sadd.s32 @!p0 $0x100000, s0;
	[bflag:$0x2] =	sbarrier.arrive $0xFFFF  }
0x86: {  	[sflag:s0] =	ssyncadd.tile.s32 @!p0 $0x1;
	_ =	shalt  }
.Lfunc_end2:
_tile_overlayer_lowered:
.L_overlay_start_2:
0x87: {  	(tag) =	ssettag $0x2  }
0x88: {  	s0 =	rddreg [dreg:$0x0];
	s2 =	stileid.u32  }
0x89: {  	s1 =	rddreg [dreg:$0x1];
	p0 =	sne.s32 s2, $0x0  }
0x8a: {  	s3 =	rddreg [dreg:$0x2];
	[bflag:$0x3] =	sbarrier.arrive $0xFFFF;
	s2 =	simm.s32 @!p0 $0x1C01  }
0x8b: {  	[timem:s3], [sflag:s2] =	dma.local @!p0 [hbm:s0], s1  }
0x8c: {  	s0 =	simm.s32 @!p0 $0x1  }
0x8d: {  	_ =	swait.ge @!p0 [sflag:s0], s1  }
0x8e: {  	s1 =	ssub.s32 @!p0 $0x0, s1;
	[sflag:s0] =	ssyncset.done @!p0 $0x0  }
0x8f: {  	[sflag:s0] =	ssyncadd.s32 @!p0 s1  }
0x90: {  	[bflag:$0x3] =	sbarrier.arrive $0xFFFF  }
0x91: {  	_ =	shalt  }

</sc_bundles>
